<compile_context>
chip_gen: v7x
topology: tpu7x:2x2x1
jax: 0.10.2.dev20260603
libtpu: 0.0.44.dev20260713+nightly
codegen_flags: <defaults>
</compile_context>

<pallas_src>
import functools

import numpy as np

import jax
import jax.numpy as jnp
from jax import lax
from jax.experimental import pallas as pl
from jax.experimental.pallas import tpu as pltpu
from jax.experimental.pallas import tpu_sc as plsc

_COLS = (3, 17, 42, 77, 99, 110, 5, 63)
_SIGNS = (-1.0, 1.0, -1.0, 1.0, -1.0, 1.0, -1.0, 1.0)
_L = 16


def _make_tc_call(num_rows, num_cols, row0, tc_rows, blk):
    nlit = len(_COLS)

    def tc_body(x_ref, g_ref, cw_ref, o_ref):
        cm = jnp.dot(x_ref[...], g_ref[...],
                     precision=lax.Precision.HIGHEST,
                     preferred_element_type=jnp.float32)
        lane = lax.broadcasted_iota(jnp.int32, cm.shape, 1)
        valid = lane < nlit
        m = jnp.max(jnp.where(valid, cm, -1e30), axis=1, keepdims=True)
        e = jnp.where(valid, jnp.exp(cm - m), 0.0)
        tot = jnp.sum(e, axis=1, keepdims=True)
        r = cw_ref[0, 0] / tot
        sign = jnp.where(lane % 2 == 0, -1.0, 1.0)
        d = e * r * sign
        o_ref[...] = d[:, :nlit]

    return pl.pallas_call(
        tc_body,
        grid=(tc_rows // blk,),
        in_specs=[
            pl.BlockSpec((blk, num_cols), lambda i: (i + row0 // blk, 0)),
            pl.BlockSpec((num_cols, num_cols), lambda i: (0, 0)),
            pl.BlockSpec(memory_space=pltpu.SMEM),
        ],
        out_specs=pl.BlockSpec((blk, nlit), lambda i: (i, 0)),
        out_shape=jax.ShapeDtypeStruct((tc_rows, nlit), jnp.float32),
    )


def _make_sc_call(num_rows, num_cols, nc, ns, chunk_rows):
    nw = nc * ns
    rows_per_w = num_rows // nw
    n_chunks = rows_per_w // chunk_rows
    n_groups = chunk_rows // _L
    nlit = len(_COLS)

    mesh = plsc.VectorSubcoreMesh(
        core_axis_name="c", subcore_axis_name="s",
        num_cores=nc, num_subcores=ns)

    @functools.partial(
        pl.kernel,
        out_type=jax.ShapeDtypeStruct((nlit, num_rows), jnp.float32),
        mesh=mesh,
        compiler_params=pltpu.CompilerParams(needs_layout_passes=False),
        scratch_types=[
            pltpu.VMEM((chunk_rows, num_cols), jnp.float32),
            pltpu.VMEM((chunk_rows, num_cols), jnp.float32),
            pltpu.VMEM((nlit, chunk_rows), jnp.float32),
            pltpu.VMEM((_L,), jnp.float32),
            pltpu.SemaphoreType.DMA,
            pltpu.SemaphoreType.DMA,
            pltpu.SemaphoreType.DMA,
        ],
    )
    def sc_kernel(in_hbm, cw_hbm, out_hbm, in_v0, in_v1, out_v,
                  cw_v, si0, si1, so0):
        wid = lax.axis_index("s") * nc + lax.axis_index("c")
        base = wid * rows_per_w

        pltpu.sync_copy(cw_hbm, cw_v)
        w = cw_v[...]
        iota = lax.iota(jnp.int32, _L)
        col_idx = [jnp.full((_L,), c, jnp.int32) for c in _COLS]

        def make_group(in_v):
            def group(t, _):
                r0 = t * _L
                rows = r0 + iota
                vals = [plsc.load_gather(in_v, [rows, col_idx[l]])
                        for l in range(nlit)]
                sv = [v if s > 0 else -v for v, s in zip(vals, _SIGNS)]
                m = sv[0]
                for x in sv[1:]:
                    m = jnp.maximum(m, x)
                e = [jnp.exp(x - m) for x in sv]
                tot = e[0]
                for x in e[1:]:
                    tot = tot + x
                r_pos = w / tot
                r_neg = -r_pos
                for l in range(nlit):
                    out_v[l, pl.ds(r0, _L)] = \
                        e[l] * (r_pos if _SIGNS[l] > 0 else r_neg)
                return 0
            return group

        def in_slice(g):
            return in_hbm.at[pl.ds(base + g * chunk_rows, chunk_rows), :]

        def out_slice(g):
            return out_hbm.at[:, pl.ds(base + g * chunk_rows, chunk_rows)]

        in_bufs, in_sems = [in_v0, in_v1], [si0, si1]
        in_desc = [None, None]
        out_desc = None
        in_desc[0] = pltpu.async_copy(in_slice(0), in_bufs[0], in_sems[0])
        for g in range(n_chunks):
            b = g & 1
            if g + 1 < n_chunks:
                in_desc[1 - b] = pltpu.async_copy(
                    in_slice(g + 1), in_bufs[1 - b], in_sems[1 - b])
            in_desc[b].wait()
            if out_desc is not None:
                out_desc.wait()
            lax.fori_loop(0, n_groups, make_group(in_bufs[b]), 0)
            out_desc = pltpu.async_copy(out_v, out_slice(g), so0)
        out_desc.wait()

    return sc_kernel


def kernel(inputs, clause_weight):
    num_rows, num_cols = inputs.shape
    sc_rows = num_rows // 2
    cw16 = jnp.broadcast_to(clause_weight.astype(jnp.float32), (_L,))
    sc = _make_sc_call(sc_rows, num_cols, nc=2, ns=16, chunk_rows=256)
    tc = _make_tc_call(num_rows, num_cols, sc_rows, num_rows - sc_rows, 512)
    g_sel = np.zeros((num_cols, num_cols), dtype=np.float32)
    for l, c in enumerate(_COLS):
        g_sel[c, l] = _SIGNS[l]
    sc_out = sc(inputs, cw16)
    tc_out = tc(inputs, jnp.asarray(g_sel),
                clause_weight.reshape(1, 1))
    delta = jnp.concatenate([sc_out.T, tc_out], axis=0)
    scatter_literal_indices = jnp.array(_COLS, dtype=jnp.int32).reshape(-1, 1)
    return (delta, scatter_literal_indices)

# --- scband reference (transcript-rebuilt; emitter-appended) ---
"""Pipeline reference for scband-clause-enhancer-31482110280178 (READ-ONLY COPY).

The authoritative reference and input builder live on the scoring server;
editing this copy changes nothing except your own understanding.
"""

import jax, jax.numpy as jnp
import numpy as np

# Clause: "_:np3,p17,np42,p77,np99,p110,np5,p63" over 128 available predicates
GATHER_IDX = jnp.array([3, 17, 42, 77, 99, 110, 5, 63], dtype=jnp.int32)
SIGNS = jnp.array([-1.0, 1.0, -1.0, 1.0, -1.0, 1.0, -1.0, 1.0], dtype=jnp.float32)
SCATTER_IDX = GATHER_IDX.reshape(-1, 1)


def setup_inputs(seed: int = 0) -> dict:
    key = jax.random.key(seed)
    k1, _ = jax.random.split(key)
    inputs = jax.random.normal(k1, (65536, 128), dtype=jnp.float32)
    # learned clause weight (soft clause, trainable), initialized to initial_clause_weight=0.5
    clause_weight = jnp.array([0.5], dtype=jnp.float32)
    return {"inputs": inputs, "clause_weight": clause_weight}


def reference(inputs, clause_weight):
    # grounded_clause: gather literal columns and apply literal signs
    selected_predicates = jnp.take(inputs, GATHER_IDX, axis=1)  # [B, L]
    clause_matrix = selected_predicates * SIGNS                  # [B, L]
    # forward: delta = signs * softmax(clause_matrix) * clause_weight
    delta = SIGNS * jax.nn.softmax(clause_matrix, axis=-1) * clause_weight  # [B, L]
    scatter_literal_indices = SCATTER_IDX.astype(jnp.int32)      # [L, 1]
    return (delta, scatter_literal_indices)

if __name__ == "__main__":
    import jax
    _d = setup_inputs()
    print(jax.jit(kernel)(*tuple(_d.values())))

</pallas_src>

<mosaic_0001>
#map = affine_map<(d0, d1) -> (0, 0)>
#map1 = affine_map<(d0, d1) -> (0)>
module attributes {stable_mosaic.version = 14 : i64} {
  func.func @sc_kernel(%arg0: i32, %arg1: i32, %arg2: memref<65536x128xf32, #tpu.memory_space<hbm>>, %arg3: memref<16xf32, #tpu.memory_space<hbm>>, %arg4: memref<8x32768xf32, #tpu.memory_space<hbm>>, %arg5: memref<256x128xf32, #tpu.memory_space<vmem>>, %arg6: memref<256x128xf32, #tpu.memory_space<vmem>>, %arg7: memref<8x256xf32, #tpu.memory_space<vmem>>, %arg8: memref<16xf32, #tpu.memory_space<vmem>>, %arg9: memref<!tpu.dma_semaphore, #tpu.memory_space<semaphore_mem>>, %arg10: memref<!tpu.dma_semaphore, #tpu.memory_space<semaphore_mem>>, %arg11: memref<!tpu.dma_semaphore, #tpu.memory_space<semaphore_mem>>) attributes {dimension_semantics = [#tpu.dimension_semantics<core_parallel>, #tpu.dimension_semantics<subcore_parallel>], iteration_bounds = array<i64: 2, 16>, scalar_prefetch = 0 : i64, scratch_operands = 7 : i64, tpu.core_type = #tpu.core_type<sc_vector_subcore>, window_params = [{transform_indices = #map}, {transform_indices = #map1}, {transform_indices = #map}]} {
    %mul3A = arith.constant 2 : i32
    %mul3A_0 = arith.muli %arg1, %mul3A : i32
    %add3A = arith.addi %mul3A_0, %arg0 : i32
    %mul3A_1 = arith.constant 1024 : i32
    %mul3A_2 = arith.muli %add3A, %mul3A_1 : i32
    "tpu.region"() ({
      %run_scoped3A = tpu.sem_alloc : memref<!tpu.dma_semaphore, #tpu.memory_space<semaphore_mem>>
      tpu.enqueue_dma source(%arg3 : memref<16xf32, #tpu.memory_space<hbm>>) target(%arg8 : memref<16xf32, #tpu.memory_space<vmem>>) target_semaphore(%run_scoped3A : memref<!tpu.dma_semaphore, #tpu.memory_space<semaphore_mem>>)
      tpu.wait_dma2 semaphore(%run_scoped3A : memref<!tpu.dma_semaphore, #tpu.memory_space<semaphore_mem>>) src(%arg3 : memref<16xf32, #tpu.memory_space<hbm>>) dst(%arg8 : memref<16xf32, #tpu.memory_space<vmem>>)
      tpu.yield
    }) : () -> ()
    %get3A = arith.constant 0 : index
    %get3A_3 = tpu.vector_load %arg8[%get3A] {strides = array<i32>} : memref<16xf32, #tpu.memory_space<vmem>>, vector<16xf32>,
    %iota3A = tpu.iota {dimensions = array<i32: 0>} : vector<16xi32>
    %broadcast_in_dim3A = arith.constant 3 : i32
    %broadcast_in_dim3A_4 = vector.broadcast %broadcast_in_dim3A : i32 to vector<16xi32>
    %broadcast_in_dim3A_5 = arith.constant 17 : i32
    %broadcast_in_dim3A_6 = vector.broadcast %broadcast_in_dim3A_5 : i32 to vector<16xi32>
    %broadcast_in_dim3A_7 = arith.constant 42 : i32
    %broadcast_in_dim3A_8 = vector.broadcast %broadcast_in_dim3A_7 : i32 to vector<16xi32>
    %broadcast_in_dim3A_9 = arith.constant 77 : i32
    %broadcast_in_dim3A_10 = vector.broadcast %broadcast_in_dim3A_9 : i32 to vector<16xi32>
    %broadcast_in_dim3A_11 = arith.constant 99 : i32
    %broadcast_in_dim3A_12 = vector.broadcast %broadcast_in_dim3A_11 : i32 to vector<16xi32>
    %broadcast_in_dim3A_13 = arith.constant 110 : i32
    %broadcast_in_dim3A_14 = vector.broadcast %broadcast_in_dim3A_13 : i32 to vector<16xi32>
    %broadcast_in_dim3A_15 = arith.constant 5 : i32
    %broadcast_in_dim3A_16 = vector.broadcast %broadcast_in_dim3A_15 : i32 to vector<16xi32>
    %broadcast_in_dim3A_17 = arith.constant 63 : i32
    %broadcast_in_dim3A_18 = vector.broadcast %broadcast_in_dim3A_17 : i32 to vector<16xi32>
    %add3A_19 = arith.constant 0 : i32
    %add3A_20 = arith.addi %mul3A_2, %add3A_19 : i32
    %dma_start3A = arith.constant 0 : i32
    %dma_start3A_21 = tpu.memref_slice %arg2[%add3A_20, %dma_start3A] : memref<65536x128xf32, #tpu.memory_space<hbm>> -> memref<256x128xf32, #tpu.memory_space<hbm>>
    %dma_start3A_22 = arith.constant 0 : i32
    %dma_start3A_23 = tpu.memref_slice %arg2[%add3A_20, %dma_start3A_22] : memref<65536x128xf32, #tpu.memory_space<hbm>> -> memref<256x128xf32, #tpu.memory_space<hbm>>
    tpu.enqueue_dma source(%dma_start3A_23 : memref<256x128xf32, #tpu.memory_space<hbm>>) target(%arg5 : memref<256x128xf32, #tpu.memory_space<vmem>>) target_semaphore(%arg9 : memref<!tpu.dma_semaphore, #tpu.memory_space<semaphore_mem>>)
    %add3A_24 = arith.constant 256 : i32
    %add3A_25 = arith.addi %mul3A_2, %add3A_24 : i32
    %dma_start3A_26 = arith.constant 0 : i32
    %dma_start3A_27 = tpu.memref_slice %arg2[%add3A_25, %dma_start3A_26] : memref<65536x128xf32, #tpu.memory_space<hbm>> -> memref<256x128xf32, #tpu.memory_space<hbm>>
    %dma_start3A_28 = arith.constant 0 : i32
    %dma_start3A_29 = tpu.memref_slice %arg2[%add3A_25, %dma_start3A_28] : memref<65536x128xf32, #tpu.memory_space<hbm>> -> memref<256x128xf32, #tpu.memory_space<hbm>>
    tpu.enqueue_dma source(%dma_start3A_29 : memref<256x128xf32, #tpu.memory_space<hbm>>) target(%arg6 : memref<256x128xf32, #tpu.memory_space<vmem>>) target_semaphore(%arg10 : memref<!tpu.dma_semaphore, #tpu.memory_space<semaphore_mem>>)
    %dma_wait3A = arith.constant 0 : i32
    %dma_wait3A_30 = tpu.memref_slice %arg2[%add3A_20, %dma_wait3A] : memref<65536x128xf32, #tpu.memory_space<hbm>> -> memref<256x128xf32, #tpu.memory_space<hbm>>
    %dma_wait3A_31 = arith.constant 0 : i32
    %dma_wait3A_32 = tpu.memref_slice %arg2[%add3A_20, %dma_wait3A_31] : memref<65536x128xf32, #tpu.memory_space<hbm>> -> memref<256x128xf32, #tpu.memory_space<hbm>>
    tpu.wait_dma2 semaphore(%arg9 : memref<!tpu.dma_semaphore, #tpu.memory_space<semaphore_mem>>) src(%dma_wait3A_32 : memref<256x128xf32, #tpu.memory_space<hbm>>) dst(%arg5 : memref<256x128xf32, #tpu.memory_space<vmem>>)
    %scan3A = arith.constant 0 : i32
    %scan3A_33 = arith.constant 0 : i32
    %scan3A_34 = arith.constant 16 : i32
    %scan3A_35 = arith.addi %scan3A_33, %scan3A_34 : i32
    %scan3A_36 = arith.constant 1 : i32
    %scan3A_37 = scf.for %scan3A_124 = %scan3A_33 to %scan3A_35 step %scan3A_36 iter_args(%scan3A_125 = %scan3A) -> (i32)  : i32 {
      %mul3A_126 = arith.constant 16 : i32
      %mul3A_127 = arith.muli %scan3A_124, %mul3A_126 : i32
      %add3A_128 = vector.broadcast %mul3A_127 : i32 to vector<16xi32>
      %add3A_129 = arith.addi %add3A_128, %iota3A : vector<16xi32>
      %gather3A = tpu.vector_load_idx %arg5[%add3A_129, %broadcast_in_dim3A_4] : memref<256x128xf32, #tpu.memory_space<vmem>>[vector<16xi32>, vector<16xi32>], vector<16xf32>,
      %gather3A_130 = tpu.vector_load_idx %arg5[%add3A_129, %broadcast_in_dim3A_6] : memref<256x128xf32, #tpu.memory_space<vmem>>[vector<16xi32>, vector<16xi32>], vector<16xf32>,
      %gather3A_131 = tpu.vector_load_idx %arg5[%add3A_129, %broadcast_in_dim3A_8] : memref<256x128xf32, #tpu.memory_space<vmem>>[vector<16xi32>, vector<16xi32>], vector<16xf32>,
      %gather3A_132 = tpu.vector_load_idx %arg5[%add3A_129, %broadcast_in_dim3A_10] : memref<256x128xf32, #tpu.memory_space<vmem>>[vector<16xi32>, vector<16xi32>], vector<16xf32>,
      %gather3A_133 = tpu.vector_load_idx %arg5[%add3A_129, %broadcast_in_dim3A_12] : memref<256x128xf32, #tpu.memory_space<vmem>>[vector<16xi32>, vector<16xi32>], vector<16xf32>,
      %gather3A_134 = tpu.vector_load_idx %arg5[%add3A_129, %broadcast_in_dim3A_14] : memref<256x128xf32, #tpu.memory_space<vmem>>[vector<16xi32>, vector<16xi32>], vector<16xf32>,
      %gather3A_135 = tpu.vector_load_idx %arg5[%add3A_129, %broadcast_in_dim3A_16] : memref<256x128xf32, #tpu.memory_space<vmem>>[vector<16xi32>, vector<16xi32>], vector<16xf32>,
      %gather3A_136 = tpu.vector_load_idx %arg5[%add3A_129, %broadcast_in_dim3A_18] : memref<256x128xf32, #tpu.memory_space<vmem>>[vector<16xi32>, vector<16xi32>], vector<16xf32>,
      %neg3A = arith.constant 0.000000e+00 : f32
      %neg3A_137 = vector.broadcast %neg3A : f32 to vector<16xf32>
      %neg3A_138 = arith.subf %neg3A_137, %gather3A : vector<16xf32>
      %neg3A_139 = arith.constant 0.000000e+00 : f32
      %neg3A_140 = vector.broadcast %neg3A_139 : f32 to vector<16xf32>
      %neg3A_141 = arith.subf %neg3A_140, %gather3A_131 : vector<16xf32>
      %neg3A_142 = arith.constant 0.000000e+00 : f32
      %neg3A_143 = vector.broadcast %neg3A_142 : f32 to vector<16xf32>
      %neg3A_144 = arith.subf %neg3A_143, %gather3A_133 : vector<16xf32>
      %neg3A_145 = arith.constant 0.000000e+00 : f32
      %neg3A_146 = vector.broadcast %neg3A_145 : f32 to vector<16xf32>
      %neg3A_147 = arith.subf %neg3A_146, %gather3A_135 : vector<16xf32>
      %max3A = arith.maximumf %neg3A_138, %gather3A_130 : vector<16xf32>
      %max3A_148 = arith.maximumf %max3A, %neg3A_141 : vector<16xf32>
      %max3A_149 = arith.maximumf %max3A_148, %gather3A_132 : vector<16xf32>
      %max3A_150 = arith.maximumf %max3A_149, %neg3A_144 : vector<16xf32>
      %max3A_151 = arith.maximumf %max3A_150, %gather3A_134 : vector<16xf32>
      %max3A_152 = arith.maximumf %max3A_151, %neg3A_147 : vector<16xf32>
      %max3A_153 = arith.maximumf %max3A_152, %gather3A_136 : vector<16xf32>
      %sub3A = arith.subf %neg3A_138, %max3A_153 : vector<16xf32>
      %exp3A = math.exp %sub3A : vector<16xf32>
      %sub3A_154 = arith.subf %gather3A_130, %max3A_153 : vector<16xf32>
      %exp3A_155 = math.exp %sub3A_154 : vector<16xf32>
      %sub3A_156 = arith.subf %neg3A_141, %max3A_153 : vector<16xf32>
      %exp3A_157 = math.exp %sub3A_156 : vector<16xf32>
      %sub3A_158 = arith.subf %gather3A_132, %max3A_153 : vector<16xf32>
      %exp3A_159 = math.exp %sub3A_158 : vector<16xf32>
      %sub3A_160 = arith.subf %neg3A_144, %max3A_153 : vector<16xf32>
      %exp3A_161 = math.exp %sub3A_160 : vector<16xf32>
      %sub3A_162 = arith.subf %gather3A_134, %max3A_153 : vector<16xf32>
      %exp3A_163 = math.exp %sub3A_162 : vector<16xf32>
      %sub3A_164 = arith.subf %neg3A_147, %max3A_153 : vector<16xf32>
      %exp3A_165 = math.exp %sub3A_164 : vector<16xf32>
      %sub3A_166 = arith.subf %gather3A_136, %max3A_153 : vector<16xf32>
      %exp3A_167 = math.exp %sub3A_166 : vector<16xf32>
      %add3A_168 = arith.addf %exp3A, %exp3A_155 : vector<16xf32>
      %add3A_169 = arith.addf %add3A_168, %exp3A_157 : vector<16xf32>
      %add3A_170 = arith.addf %add3A_169, %exp3A_159 : vector<16xf32>
      %add3A_171 = arith.addf %add3A_170, %exp3A_161 : vector<16xf32>
      %add3A_172 = arith.addf %add3A_171, %exp3A_163 : vector<16xf32>
      %add3A_173 = arith.addf %add3A_172, %exp3A_165 : vector<16xf32>
      %add3A_174 = arith.addf %add3A_173, %exp3A_167 : vector<16xf32>
      %div3A = arith.divf %get3A_3, %add3A_174 : vector<16xf32>
      %neg3A_175 = arith.constant 0.000000e+00 : f32
      %neg3A_176 = vector.broadcast %neg3A_175 : f32 to vector<16xf32>
      %neg3A_177 = arith.subf %neg3A_176, %div3A : vector<16xf32>
      %mul3A_178 = arith.mulf %exp3A, %neg3A_177 : vector<16xf32>
      %swap3A = arith.constant 0 : i32
      %swap3A_179 = arith.index_cast %swap3A : i32 to index
      %swap3A_180 = arith.index_cast %mul3A_127 : i32 to index
      %swap3A_181 = tpu.vector_load %arg7[%swap3A_179, %swap3A_180] {strides = array<i32>} : memref<8x256xf32, #tpu.memory_space<vmem>>, vector<16xf32>,
      tpu.vector_store %arg7[%swap3A_179, %swap3A_180], %mul3A_178 {strides = array<i32>} : memref<8x256xf32, #tpu.memory_space<vmem>>, vector<16xf32>,
      %mul3A_182 = arith.mulf %exp3A_155, %div3A : vector<16xf32>
      %swap3A_183 = arith.constant 1 : i32
      %swap3A_184 = arith.index_cast %swap3A_183 : i32 to index
      %swap3A_185 = arith.index_cast %mul3A_127 : i32 to index
      %swap3A_186 = tpu.vector_load %arg7[%swap3A_184, %swap3A_185] {strides = array<i32>} : memref<8x256xf32, #tpu.memory_space<vmem>>, vector<16xf32>,
      tpu.vector_store %arg7[%swap3A_184, %swap3A_185], %mul3A_182 {strides = array<i32>} : memref<8x256xf32, #tpu.memory_space<vmem>>, vector<16xf32>,
      %mul3A_187 = arith.mulf %exp3A_157, %neg3A_177 : vector<16xf32>
      %swap3A_188 = arith.constant 2 : i32
      %swap3A_189 = arith.index_cast %swap3A_188 : i32 to index
      %swap3A_190 = arith.index_cast %mul3A_127 : i32 to index
      %swap3A_191 = tpu.vector_load %arg7[%swap3A_189, %swap3A_190] {strides = array<i32>} : memref<8x256xf32, #tpu.memory_space<vmem>>, vector<16xf32>,
      tpu.vector_store %arg7[%swap3A_189, %swap3A_190], %mul3A_187 {strides = array<i32>} : memref<8x256xf32, #tpu.memory_space<vmem>>, vector<16xf32>,
      %mul3A_192 = arith.mulf %exp3A_159, %div3A : vector<16xf32>
      %swap3A_193 = arith.constant 3 : i32
      %swap3A_194 = arith.index_cast %swap3A_193 : i32 to index
      %swap3A_195 = arith.index_cast %mul3A_127 : i32 to index
      %swap3A_196 = tpu.vector_load %arg7[%swap3A_194, %swap3A_195] {strides = array<i32>} : memref<8x256xf32, #tpu.memory_space<vmem>>, vector<16xf32>,
      tpu.vector_store %arg7[%swap3A_194, %swap3A_195], %mul3A_192 {strides = array<i32>} : memref<8x256xf32, #tpu.memory_space<vmem>>, vector<16xf32>,
      %mul3A_197 = arith.mulf %exp3A_161, %neg3A_177 : vector<16xf32>
      %swap3A_198 = arith.constant 4 : i32
      %swap3A_199 = arith.index_cast %swap3A_198 : i32 to index
      %swap3A_200 = arith.index_cast %mul3A_127 : i32 to index
      %swap3A_201 = tpu.vector_load %arg7[%swap3A_199, %swap3A_200] {strides = array<i32>} : memref<8x256xf32, #tpu.memory_space<vmem>>, vector<16xf32>,
      tpu.vector_store %arg7[%swap3A_199, %swap3A_200], %mul3A_197 {strides = array<i32>} : memref<8x256xf32, #tpu.memory_space<vmem>>, vector<16xf32>,
      %mul3A_202 = arith.mulf %exp3A_163, %div3A : vector<16xf32>
      %swap3A_203 = arith.constant 5 : i32
      %swap3A_204 = arith.index_cast %swap3A_203 : i32 to index
      %swap3A_205 = arith.index_cast %mul3A_127 : i32 to index
      %swap3A_206 = tpu.vector_load %arg7[%swap3A_204, %swap3A_205] {strides = array<i32>} : memref<8x256xf32, #tpu.memory_space<vmem>>, vector<16xf32>,
      tpu.vector_store %arg7[%swap3A_204, %swap3A_205], %mul3A_202 {strides = array<i32>} : memref<8x256xf32, #tpu.memory_space<vmem>>, vector<16xf32>,
      %mul3A_207 = arith.mulf %exp3A_165, %neg3A_177 : vector<16xf32>
      %swap3A_208 = arith.constant 6 : i32
      %swap3A_209 = arith.index_cast %swap3A_208 : i32 to index
      %swap3A_210 = arith.index_cast %mul3A_127 : i32 to index
      %swap3A_211 = tpu.vector_load %arg7[%swap3A_209, %swap3A_210] {strides = array<i32>} : memref<8x256xf32, #tpu.memory_space<vmem>>, vector<16xf32>,
      tpu.vector_store %arg7[%swap3A_209, %swap3A_210], %mul3A_207 {strides = array<i32>} : memref<8x256xf32, #tpu.memory_space<vmem>>, vector<16xf32>,
      %mul3A_212 = arith.mulf %exp3A_167, %div3A : vector<16xf32>
      %swap3A_213 = arith.constant 7 : i32
      %swap3A_214 = arith.index_cast %swap3A_213 : i32 to index
      %swap3A_215 = arith.index_cast %mul3A_127 : i32 to index
      %swap3A_216 = tpu.vector_load %arg7[%swap3A_214, %swap3A_215] {strides = array<i32>} : memref<8x256xf32, #tpu.memory_space<vmem>>, vector<16xf32>,
      tpu.vector_store %arg7[%swap3A_214, %swap3A_215], %mul3A_212 {strides = array<i32>} : memref<8x256xf32, #tpu.memory_space<vmem>>, vector<16xf32>,
      %scan3A_217 = arith.constant 0 : i32
      scf.yield %scan3A_217 : i32
    }
    %scan3A_38 = arith.constant 16 : i32
    %add3A_39 = arith.constant 0 : i32
    %add3A_40 = arith.addi %mul3A_2, %add3A_39 : i32
    %dma_start3A_41 = arith.constant 0 : i32
    %dma_start3A_42 = tpu.memref_slice %arg4[%dma_start3A_41, %add3A_40] : memref<8x32768xf32, #tpu.memory_space<hbm>> -> memref<8x256xf32, #tpu.memory_space<hbm>>
    %dma_start3A_43 = arith.constant 0 : i32
    %dma_start3A_44 = tpu.memref_slice %arg4[%dma_start3A_43, %add3A_40] : memref<8x32768xf32, #tpu.memory_space<hbm>> -> memref<8x256xf32, #tpu.memory_space<hbm>>
    tpu.enqueue_dma source(%arg7 : memref<8x256xf32, #tpu.memory_space<vmem>>) target(%dma_start3A_44 : memref<8x256xf32, #tpu.memory_space<hbm>>) target_semaphore(%arg11 : memref<!tpu.dma_semaphore, #tpu.memory_space<semaphore_mem>>)
    %add3A_45 = arith.constant 512 : i32
    %add3A_46 = arith.addi %mul3A_2, %add3A_45 : i32
    %dma_start3A_47 = arith.constant 0 : i32
    %dma_start3A_48 = tpu.memref_slice %arg2[%add3A_46, %dma_start3A_47] : memref<65536x128xf32, #tpu.memory_space<hbm>> -> memref<256x128xf32, #tpu.memory_space<hbm>>
    %dma_start3A_49 = arith.constant 0 : i32
    %dma_start3A_50 = tpu.memref_slice %arg2[%add3A_46, %dma_start3A_49] : memref<65536x128xf32, #tpu.memory_space<hbm>> -> memref<256x128xf32, #tpu.memory_space<hbm>>
    tpu.enqueue_dma source(%dma_start3A_50 : memref<256x128xf32, #tpu.memory_space<hbm>>) target(%arg5 : memref<256x128xf32, #tpu.memory_space<vmem>>) target_semaphore(%arg9 : memref<!tpu.dma_semaphore, #tpu.memory_space<semaphore_mem>>)
    %dma_wait3A_51 = arith.constant 0 : i32
    %dma_wait3A_52 = tpu.memref_slice %arg2[%add3A_25, %dma_wait3A_51] : memref<65536x128xf32, #tpu.memory_space<hbm>> -> memref<256x128xf32, #tpu.memory_space<hbm>>
    %dma_wait3A_53 = arith.constant 0 : i32
    %dma_wait3A_54 = tpu.memref_slice %arg2[%add3A_25, %dma_wait3A_53] : memref<65536x128xf32, #tpu.memory_space<hbm>> -> memref<256x128xf32, #tpu.memory_space<hbm>>
    tpu.wait_dma2 semaphore(%arg10 : memref<!tpu.dma_semaphore, #tpu.memory_space<semaphore_mem>>) src(%dma_wait3A_54 : memref<256x128xf32, #tpu.memory_space<hbm>>) dst(%arg6 : memref<256x128xf32, #tpu.memory_space<vmem>>)
    %dma_wait3A_55 = arith.constant 0 : i32
    %dma_wait3A_56 = tpu.memref_slice %arg4[%dma_wait3A_55, %add3A_40] : memref<8x32768xf32, #tpu.memory_space<hbm>> -> memref<8x256xf32, #tpu.memory_space<hbm>>
    %dma_wait3A_57 = arith.constant 0 : i32
    %dma_wait3A_58 = tpu.memref_slice %arg4[%dma_wait3A_57, %add3A_40] : memref<8x32768xf32, #tpu.memory_space<hbm>> -> memref<8x256xf32, #tpu.memory_space<hbm>>
    tpu.wait_dma2 semaphore(%arg11 : memref<!tpu.dma_semaphore, #tpu.memory_space<semaphore_mem>>) src(%arg7 : memref<8x256xf32, #tpu.memory_space<vmem>>) dst(%dma_wait3A_58 : memref<8x256xf32, #tpu.memory_space<hbm>>)
    %scan3A_59 = arith.constant 0 : i32
    %scan3A_60 = arith.constant 0 : i32
    %scan3A_61 = arith.constant 16 : i32
    %scan3A_62 = arith.addi %scan3A_60, %scan3A_61 : i32
    %scan3A_63 = arith.constant 1 : i32
    %scan3A_64 = scf.for %scan3A_124 = %scan3A_60 to %scan3A_62 step %scan3A_63 iter_args(%scan3A_125 = %scan3A_59) -> (i32)  : i32 {
      %mul3A_126 = arith.constant 16 : i32
      %mul3A_127 = arith.muli %scan3A_124, %mul3A_126 : i32
      %add3A_128 = vector.broadcast %mul3A_127 : i32 to vector<16xi32>
      %add3A_129 = arith.addi %add3A_128, %iota3A : vector<16xi32>
      %gather3A = tpu.vector_load_idx %arg6[%add3A_129, %broadcast_in_dim3A_4] : memref<256x128xf32, #tpu.memory_space<vmem>>[vector<16xi32>, vector<16xi32>], vector<16xf32>,
      %gather3A_130 = tpu.vector_load_idx %arg6[%add3A_129, %broadcast_in_dim3A_6] : memref<256x128xf32, #tpu.memory_space<vmem>>[vector<16xi32>, vector<16xi32>], vector<16xf32>,
      %gather3A_131 = tpu.vector_load_idx %arg6[%add3A_129, %broadcast_in_dim3A_8] : memref<256x128xf32, #tpu.memory_space<vmem>>[vector<16xi32>, vector<16xi32>], vector<16xf32>,
      %gather3A_132 = tpu.vector_load_idx %arg6[%add3A_129, %broadcast_in_dim3A_10] : memref<256x128xf32, #tpu.memory_space<vmem>>[vector<16xi32>, vector<16xi32>], vector<16xf32>,
      %gather3A_133 = tpu.vector_load_idx %arg6[%add3A_129, %broadcast_in_dim3A_12] : memref<256x128xf32, #tpu.memory_space<vmem>>[vector<16xi32>, vector<16xi32>], vector<16xf32>,
      %gather3A_134 = tpu.vector_load_idx %arg6[%add3A_129, %broadcast_in_dim3A_14] : memref<256x128xf32, #tpu.memory_space<vmem>>[vector<16xi32>, vector<16xi32>], vector<16xf32>,
      %gather3A_135 = tpu.vector_load_idx %arg6[%add3A_129, %broadcast_in_dim3A_16] : memref<256x128xf32, #tpu.memory_space<vmem>>[vector<16xi32>, vector<16xi32>], vector<16xf32>,
      %gather3A_136 = tpu.vector_load_idx %arg6[%add3A_129, %broadcast_in_dim3A_18] : memref<256x128xf32, #tpu.memory_space<vmem>>[vector<16xi32>, vector<16xi32>], vector<16xf32>,
      %neg3A = arith.constant 0.000000e+00 : f32
      %neg3A_137 = vector.broadcast %neg3A : f32 to vector<16xf32>
      %neg3A_138 = arith.subf %neg3A_137, %gather3A : vector<16xf32>
      %neg3A_139 = arith.constant 0.000000e+00 : f32
      %neg3A_140 = vector.broadcast %neg3A_139 : f32 to vector<16xf32>
      %neg3A_141 = arith.subf %neg3A_140, %gather3A_131 : vector<16xf32>
      %neg3A_142 = arith.constant 0.000000e+00 : f32
      %neg3A_143 = vector.broadcast %neg3A_142 : f32 to vector<16xf32>
      %neg3A_144 = arith.subf %neg3A_143, %gather3A_133 : vector<16xf32>
      %neg3A_145 = arith.constant 0.000000e+00 : f32
      %neg3A_146 = vector.broadcast %neg3A_145 : f32 to vector<16xf32>
      %neg3A_147 = arith.subf %neg3A_146, %gather3A_135 : vector<16xf32>
      %max3A = arith.maximumf %neg3A_138, %gather3A_130 : vector<16xf32>
      %max3A_148 = arith.maximumf %max3A, %neg3A_141 : vector<16xf32>
      %max3A_149 = arith.maximumf %max3A_148, %gather3A_132 : vector<16xf32>
      %max3A_150 = arith.maximumf %max3A_149, %neg3A_144 : vector<16xf32>
      %max3A_151 = arith.maximumf %max3A_150, %gather3A_134 : vector<16xf32>
      %max3A_152 = arith.maximumf %max3A_151, %neg3A_147 : vector<16xf32>
      %max3A_153 = arith.maximumf %max3A_152, %gather3A_136 : vector<16xf32>
      %sub3A = arith.subf %neg3A_138, %max3A_153 : vector<16xf32>
      %exp3A = math.exp %sub3A : vector<16xf32>
      %sub3A_154 = arith.subf %gather3A_130, %max3A_153 : vector<16xf32>
      %exp3A_155 = math.exp %sub3A_154 : vector<16xf32>
      %sub3A_156 = arith.subf %neg3A_141, %max3A_153 : vector<16xf32>
      %exp3A_157 = math.exp %sub3A_156 : vector<16xf32>
      %sub3A_158 = arith.subf %gather3A_132, %max3A_153 : vector<16xf32>
      %exp3A_159 = math.exp %sub3A_158 : vector<16xf32>
      %sub3A_160 = arith.subf %neg3A_144, %max3A_153 : vector<16xf32>
      %exp3A_161 = math.exp %sub3A_160 : vector<16xf32>
      %sub3A_162 = arith.subf %gather3A_134, %max3A_153 : vector<16xf32>
      %exp3A_163 = math.exp %sub3A_162 : vector<16xf32>
      %sub3A_164 = arith.subf %neg3A_147, %max3A_153 : vector<16xf32>
      %exp3A_165 = math.exp %sub3A_164 : vector<16xf32>
      %sub3A_166 = arith.subf %gather3A_136, %max3A_153 : vector<16xf32>
      %exp3A_167 = math.exp %sub3A_166 : vector<16xf32>
      %add3A_168 = arith.addf %exp3A, %exp3A_155 : vector<16xf32>
      %add3A_169 = arith.addf %add3A_168, %exp3A_157 : vector<16xf32>
      %add3A_170 = arith.addf %add3A_169, %exp3A_159 : vector<16xf32>
      %add3A_171 = arith.addf %add3A_170, %exp3A_161 : vector<16xf32>
      %add3A_172 = arith.addf %add3A_171, %exp3A_163 : vector<16xf32>
      %add3A_173 = arith.addf %add3A_172, %exp3A_165 : vector<16xf32>
      %add3A_174 = arith.addf %add3A_173, %exp3A_167 : vector<16xf32>
      %div3A = arith.divf %get3A_3, %add3A_174 : vector<16xf32>
      %neg3A_175 = arith.constant 0.000000e+00 : f32
      %neg3A_176 = vector.broadcast %neg3A_175 : f32 to vector<16xf32>
      %neg3A_177 = arith.subf %neg3A_176, %div3A : vector<16xf32>
      %mul3A_178 = arith.mulf %exp3A, %neg3A_177 : vector<16xf32>
      %swap3A = arith.constant 0 : i32
      %swap3A_179 = arith.index_cast %swap3A : i32 to index
      %swap3A_180 = arith.index_cast %mul3A_127 : i32 to index
      %swap3A_181 = tpu.vector_load %arg7[%swap3A_179, %swap3A_180] {strides = array<i32>} : memref<8x256xf32, #tpu.memory_space<vmem>>, vector<16xf32>,
      tpu.vector_store %arg7[%swap3A_179, %swap3A_180], %mul3A_178 {strides = array<i32>} : memref<8x256xf32, #tpu.memory_space<vmem>>, vector<16xf32>,
      %mul3A_182 = arith.mulf %exp3A_155, %div3A : vector<16xf32>
      %swap3A_183 = arith.constant 1 : i32
      %swap3A_184 = arith.index_cast %swap3A_183 : i32 to index
      %swap3A_185 = arith.index_cast %mul3A_127 : i32 to index
      %swap3A_186 = tpu.vector_load %arg7[%swap3A_184, %swap3A_185] {strides = array<i32>} : memref<8x256xf32, #tpu.memory_space<vmem>>, vector<16xf32>,
      tpu.vector_store %arg7[%swap3A_184, %swap3A_185], %mul3A_182 {strides = array<i32>} : memref<8x256xf32, #tpu.memory_space<vmem>>, vector<16xf32>,
      %mul3A_187 = arith.mulf %exp3A_157, %neg3A_177 : vector<16xf32>
      %swap3A_188 = arith.constant 2 : i32
      %swap3A_189 = arith.index_cast %swap3A_188 : i32 to index
      %swap3A_190 = arith.index_cast %mul3A_127 : i32 to index
      %swap3A_191 = tpu.vector_load %arg7[%swap3A_189, %swap3A_190] {strides = array<i32>} : memref<8x256xf32, #tpu.memory_space<vmem>>, vector<16xf32>,
      tpu.vector_store %arg7[%swap3A_189, %swap3A_190], %mul3A_187 {strides = array<i32>} : memref<8x256xf32, #tpu.memory_space<vmem>>, vector<16xf32>,
      %mul3A_192 = arith.mulf %exp3A_159, %div3A : vector<16xf32>
      %swap3A_193 = arith.constant 3 : i32
      %swap3A_194 = arith.index_cast %swap3A_193 : i32 to index
      %swap3A_195 = arith.index_cast %mul3A_127 : i32 to index
      %swap3A_196 = tpu.vector_load %arg7[%swap3A_194, %swap3A_195] {strides = array<i32>} : memref<8x256xf32, #tpu.memory_space<vmem>>, vector<16xf32>,
      tpu.vector_store %arg7[%swap3A_194, %swap3A_195], %mul3A_192 {strides = array<i32>} : memref<8x256xf32, #tpu.memory_space<vmem>>, vector<16xf32>,
      %mul3A_197 = arith.mulf %exp3A_161, %neg3A_177 : vector<16xf32>
      %swap3A_198 = arith.constant 4 : i32
      %swap3A_199 = arith.index_cast %swap3A_198 : i32 to index
      %swap3A_200 = arith.index_cast %mul3A_127 : i32 to index
      %swap3A_201 = tpu.vector_load %arg7[%swap3A_199, %swap3A_200] {strides = array<i32>} : memref<8x256xf32, #tpu.memory_space<vmem>>, vector<16xf32>,
      tpu.vector_store %arg7[%swap3A_199, %swap3A_200], %mul3A_197 {strides = array<i32>} : memref<8x256xf32, #tpu.memory_space<vmem>>, vector<16xf32>,
      %mul3A_202 = arith.mulf %exp3A_163, %div3A : vector<16xf32>
      %swap3A_203 = arith.constant 5 : i32
      %swap3A_204 = arith.index_cast %swap3A_203 : i32 to index
      %swap3A_205 = arith.index_cast %mul3A_127 : i32 to index
      %swap3A_206 = tpu.vector_load %arg7[%swap3A_204, %swap3A_205] {strides = array<i32>} : memref<8x256xf32, #tpu.memory_space<vmem>>, vector<16xf32>,
      tpu.vector_store %arg7[%swap3A_204, %swap3A_205], %mul3A_202 {strides = array<i32>} : memref<8x256xf32, #tpu.memory_space<vmem>>, vector<16xf32>,
      %mul3A_207 = arith.mulf %exp3A_165, %neg3A_177 : vector<16xf32>
      %swap3A_208 = arith.constant 6 : i32
      %swap3A_209 = arith.index_cast %swap3A_208 : i32 to index
      %swap3A_210 = arith.index_cast %mul3A_127 : i32 to index
      %swap3A_211 = tpu.vector_load %arg7[%swap3A_209, %swap3A_210] {strides = array<i32>} : memref<8x256xf32, #tpu.memory_space<vmem>>, vector<16xf32>,
      tpu.vector_store %arg7[%swap3A_209, %swap3A_210], %mul3A_207 {strides = array<i32>} : memref<8x256xf32, #tpu.memory_space<vmem>>, vector<16xf32>,
      %mul3A_212 = arith.mulf %exp3A_167, %div3A : vector<16xf32>
      %swap3A_213 = arith.constant 7 : i32
      %swap3A_214 = arith.index_cast %swap3A_213 : i32 to index
      %swap3A_215 = arith.index_cast %mul3A_127 : i32 to index
      %swap3A_216 = tpu.vector_load %arg7[%swap3A_214, %swap3A_215] {strides = array<i32>} : memref<8x256xf32, #tpu.memory_space<vmem>>, vector<16xf32>,
      tpu.vector_store %arg7[%swap3A_214, %swap3A_215], %mul3A_212 {strides = array<i32>} : memref<8x256xf32, #tpu.memory_space<vmem>>, vector<16xf32>,
      %scan3A_217 = arith.constant 0 : i32
      scf.yield %scan3A_217 : i32
    }
    %scan3A_65 = arith.constant 16 : i32
    %add3A_66 = arith.constant 256 : i32
    %add3A_67 = arith.addi %mul3A_2, %add3A_66 : i32
    %dma_start3A_68 = arith.constant 0 : i32
    %dma_start3A_69 = tpu.memref_slice %arg4[%dma_start3A_68, %add3A_67] : memref<8x32768xf32, #tpu.memory_space<hbm>> -> memref<8x256xf32, #tpu.memory_space<hbm>>
    %dma_start3A_70 = arith.constant 0 : i32
    %dma_start3A_71 = tpu.memref_slice %arg4[%dma_start3A_70, %add3A_67] : memref<8x32768xf32, #tpu.memory_space<hbm>> -> memref<8x256xf32, #tpu.memory_space<hbm>>
    tpu.enqueue_dma source(%arg7 : memref<8x256xf32, #tpu.memory_space<vmem>>) target(%dma_start3A_71 : memref<8x256xf32, #tpu.memory_space<hbm>>) target_semaphore(%arg11 : memref<!tpu.dma_semaphore, #tpu.memory_space<semaphore_mem>>)
    %add3A_72 = arith.constant 768 : i32
    %add3A_73 = arith.addi %mul3A_2, %add3A_72 : i32
    %dma_start3A_74 = arith.constant 0 : i32
    %dma_start3A_75 = tpu.memref_slice %arg2[%add3A_73, %dma_start3A_74] : memref<65536x128xf32, #tpu.memory_space<hbm>> -> memref<256x128xf32, #tpu.memory_space<hbm>>
    %dma_start3A_76 = arith.constant 0 : i32
    %dma_start3A_77 = tpu.memref_slice %arg2[%add3A_73, %dma_start3A_76] : memref<65536x128xf32, #tpu.memory_space<hbm>> -> memref<256x128xf32, #tpu.memory_space<hbm>>
    tpu.enqueue_dma source(%dma_start3A_77 : memref<256x128xf32, #tpu.memory_space<hbm>>) target(%arg6 : memref<256x128xf32, #tpu.memory_space<vmem>>) target_semaphore(%arg10 : memref<!tpu.dma_semaphore, #tpu.memory_space<semaphore_mem>>)
    %dma_wait3A_78 = arith.constant 0 : i32
    %dma_wait3A_79 = tpu.memref_slice %arg2[%add3A_46, %dma_wait3A_78] : memref<65536x128xf32, #tpu.memory_space<hbm>> -> memref<256x128xf32, #tpu.memory_space<hbm>>
    %dma_wait3A_80 = arith.constant 0 : i32
    %dma_wait3A_81 = tpu.memref_slice %arg2[%add3A_46, %dma_wait3A_80] : memref<65536x128xf32, #tpu.memory_space<hbm>> -> memref<256x128xf32, #tpu.memory_space<hbm>>
    tpu.wait_dma2 semaphore(%arg9 : memref<!tpu.dma_semaphore, #tpu.memory_space<semaphore_mem>>) src(%dma_wait3A_81 : memref<256x128xf32, #tpu.memory_space<hbm>>) dst(%arg5 : memref<256x128xf32, #tpu.memory_space<vmem>>)
    %dma_wait3A_82 = arith.constant 0 : i32
    %dma_wait3A_83 = tpu.memref_slice %arg4[%dma_wait3A_82, %add3A_67] : memref<8x32768xf32, #tpu.memory_space<hbm>> -> memref<8x256xf32, #tpu.memory_space<hbm>>
    %dma_wait3A_84 = arith.constant 0 : i32
    %dma_wait3A_85 = tpu.memref_slice %arg4[%dma_wait3A_84, %add3A_67] : memref<8x32768xf32, #tpu.memory_space<hbm>> -> memref<8x256xf32, #tpu.memory_space<hbm>>
    tpu.wait_dma2 semaphore(%arg11 : memref<!tpu.dma_semaphore, #tpu.memory_space<semaphore_mem>>) src(%arg7 : memref<8x256xf32, #tpu.memory_space<vmem>>) dst(%dma_wait3A_85 : memref<8x256xf32, #tpu.memory_space<hbm>>)
    %scan3A_86 = arith.constant 0 : i32
    %scan3A_87 = arith.constant 0 : i32
    %scan3A_88 = arith.constant 16 : i32
    %scan3A_89 = arith.addi %scan3A_87, %scan3A_88 : i32
    %scan3A_90 = arith.constant 1 : i32
    %scan3A_91 = scf.for %scan3A_124 = %scan3A_87 to %scan3A_89 step %scan3A_90 iter_args(%scan3A_125 = %scan3A_86) -> (i32)  : i32 {
      %mul3A_126 = arith.constant 16 : i32
      %mul3A_127 = arith.muli %scan3A_124, %mul3A_126 : i32
      %add3A_128 = vector.broadcast %mul3A_127 : i32 to vector<16xi32>
      %add3A_129 = arith.addi %add3A_128, %iota3A : vector<16xi32>
      %gather3A = tpu.vector_load_idx %arg5[%add3A_129, %broadcast_in_dim3A_4] : memref<256x128xf32, #tpu.memory_space<vmem>>[vector<16xi32>, vector<16xi32>], vector<16xf32>,
      %gather3A_130 = tpu.vector_load_idx %arg5[%add3A_129, %broadcast_in_dim3A_6] : memref<256x128xf32, #tpu.memory_space<vmem>>[vector<16xi32>, vector<16xi32>], vector<16xf32>,
      %gather3A_131 = tpu.vector_load_idx %arg5[%add3A_129, %broadcast_in_dim3A_8] : memref<256x128xf32, #tpu.memory_space<vmem>>[vector<16xi32>, vector<16xi32>], vector<16xf32>,
      %gather3A_132 = tpu.vector_load_idx %arg5[%add3A_129, %broadcast_in_dim3A_10] : memref<256x128xf32, #tpu.memory_space<vmem>>[vector<16xi32>, vector<16xi32>], vector<16xf32>,
      %gather3A_133 = tpu.vector_load_idx %arg5[%add3A_129, %broadcast_in_dim3A_12] : memref<256x128xf32, #tpu.memory_space<vmem>>[vector<16xi32>, vector<16xi32>], vector<16xf32>,
      %gather3A_134 = tpu.vector_load_idx %arg5[%add3A_129, %broadcast_in_dim3A_14] : memref<256x128xf32, #tpu.memory_space<vmem>>[vector<16xi32>, vector<16xi32>], vector<16xf32>,
      %gather3A_135 = tpu.vector_load_idx %arg5[%add3A_129, %broadcast_in_dim3A_16] : memref<256x128xf32, #tpu.memory_space<vmem>>[vector<16xi32>, vector<16xi32>], vector<16xf32>,
      %gather3A_136 = tpu.vector_load_idx %arg5[%add3A_129, %broadcast_in_dim3A_18] : memref<256x128xf32, #tpu.memory_space<vmem>>[vector<16xi32>, vector<16xi32>], vector<16xf32>,
      %neg3A = arith.constant 0.000000e+00 : f32
      %neg3A_137 = vector.broadcast %neg3A : f32 to vector<16xf32>
      %neg3A_138 = arith.subf %neg3A_137, %gather3A : vector<16xf32>
      %neg3A_139 = arith.constant 0.000000e+00 : f32
      %neg3A_140 = vector.broadcast %neg3A_139 : f32 to vector<16xf32>
      %neg3A_141 = arith.subf %neg3A_140, %gather3A_131 : vector<16xf32>
      %neg3A_142 = arith.constant 0.000000e+00 : f32
      %neg3A_143 = vector.broadcast %neg3A_142 : f32 to vector<16xf32>
      %neg3A_144 = arith.subf %neg3A_143, %gather3A_133 : vector<16xf32>
      %neg3A_145 = arith.constant 0.000000e+00 : f32
      %neg3A_146 = vector.broadcast %neg3A_145 : f32 to vector<16xf32>
      %neg3A_147 = arith.subf %neg3A_146, %gather3A_135 : vector<16xf32>
      %max3A = arith.maximumf %neg3A_138, %gather3A_130 : vector<16xf32>
      %max3A_148 = arith.maximumf %max3A, %neg3A_141 : vector<16xf32>
      %max3A_149 = arith.maximumf %max3A_148, %gather3A_132 : vector<16xf32>
      %max3A_150 = arith.maximumf %max3A_149, %neg3A_144 : vector<16xf32>
      %max3A_151 = arith.maximumf %max3A_150, %gather3A_134 : vector<16xf32>
      %max3A_152 = arith.maximumf %max3A_151, %neg3A_147 : vector<16xf32>
      %max3A_153 = arith.maximumf %max3A_152, %gather3A_136 : vector<16xf32>
      %sub3A = arith.subf %neg3A_138, %max3A_153 : vector<16xf32>
      %exp3A = math.exp %sub3A : vector<16xf32>
      %sub3A_154 = arith.subf %gather3A_130, %max3A_153 : vector<16xf32>
      %exp3A_155 = math.exp %sub3A_154 : vector<16xf32>
      %sub3A_156 = arith.subf %neg3A_141, %max3A_153 : vector<16xf32>
      %exp3A_157 = math.exp %sub3A_156 : vector<16xf32>
      %sub3A_158 = arith.subf %gather3A_132, %max3A_153 : vector<16xf32>
      %exp3A_159 = math.exp %sub3A_158 : vector<16xf32>
      %sub3A_160 = arith.subf %neg3A_144, %max3A_153 : vector<16xf32>
      %exp3A_161 = math.exp %sub3A_160 : vector<16xf32>
      %sub3A_162 = arith.subf %gather3A_134, %max3A_153 : vector<16xf32>
      %exp3A_163 = math.exp %sub3A_162 : vector<16xf32>
      %sub3A_164 = arith.subf %neg3A_147, %max3A_153 : vector<16xf32>
      %exp3A_165 = math.exp %sub3A_164 : vector<16xf32>
      %sub3A_166 = arith.subf %gather3A_136, %max3A_153 : vector<16xf32>
      %exp3A_167 = math.exp %sub3A_166 : vector<16xf32>
      %add3A_168 = arith.addf %exp3A, %exp3A_155 : vector<16xf32>
      %add3A_169 = arith.addf %add3A_168, %exp3A_157 : vector<16xf32>
      %add3A_170 = arith.addf %add3A_169, %exp3A_159 : vector<16xf32>
      %add3A_171 = arith.addf %add3A_170, %exp3A_161 : vector<16xf32>
      %add3A_172 = arith.addf %add3A_171, %exp3A_163 : vector<16xf32>
      %add3A_173 = arith.addf %add3A_172, %exp3A_165 : vector<16xf32>
      %add3A_174 = arith.addf %add3A_173, %exp3A_167 : vector<16xf32>
      %div3A = arith.divf %get3A_3, %add3A_174 : vector<16xf32>
      %neg3A_175 = arith.constant 0.000000e+00 : f32
      %neg3A_176 = vector.broadcast %neg3A_175 : f32 to vector<16xf32>
      %neg3A_177 = arith.subf %neg3A_176, %div3A : vector<16xf32>
      %mul3A_178 = arith.mulf %exp3A, %neg3A_177 : vector<16xf32>
      %swap3A = arith.constant 0 : i32
      %swap3A_179 = arith.index_cast %swap3A : i32 to index
      %swap3A_180 = arith.index_cast %mul3A_127 : i32 to index
      %swap3A_181 = tpu.vector_load %arg7[%swap3A_179, %swap3A_180] {strides = array<i32>} : memref<8x256xf32, #tpu.memory_space<vmem>>, vector<16xf32>,
      tpu.vector_store %arg7[%swap3A_179, %swap3A_180], %mul3A_178 {strides = array<i32>} : memref<8x256xf32, #tpu.memory_space<vmem>>, vector<16xf32>,
      %mul3A_182 = arith.mulf %exp3A_155, %div3A : vector<16xf32>
      %swap3A_183 = arith.constant 1 : i32
      %swap3A_184 = arith.index_cast %swap3A_183 : i32 to index
      %swap3A_185 = arith.index_cast %mul3A_127 : i32 to index
      %swap3A_186 = tpu.vector_load %arg7[%swap3A_184, %swap3A_185] {strides = array<i32>} : memref<8x256xf32, #tpu.memory_space<vmem>>, vector<16xf32>,
      tpu.vector_store %arg7[%swap3A_184, %swap3A_185], %mul3A_182 {strides = array<i32>} : memref<8x256xf32, #tpu.memory_space<vmem>>, vector<16xf32>,
      %mul3A_187 = arith.mulf %exp3A_157, %neg3A_177 : vector<16xf32>
      %swap3A_188 = arith.constant 2 : i32
      %swap3A_189 = arith.index_cast %swap3A_188 : i32 to index
      %swap3A_190 = arith.index_cast %mul3A_127 : i32 to index
      %swap3A_191 = tpu.vector_load %arg7[%swap3A_189, %swap3A_190] {strides = array<i32>} : memref<8x256xf32, #tpu.memory_space<vmem>>, vector<16xf32>,
      tpu.vector_store %arg7[%swap3A_189, %swap3A_190], %mul3A_187 {strides = array<i32>} : memref<8x256xf32, #tpu.memory_space<vmem>>, vector<16xf32>,
      %mul3A_192 = arith.mulf %exp3A_159, %div3A : vector<16xf32>
      %swap3A_193 = arith.constant 3 : i32
      %swap3A_194 = arith.index_cast %swap3A_193 : i32 to index
      %swap3A_195 = arith.index_cast %mul3A_127 : i32 to index
      %swap3A_196 = tpu.vector_load %arg7[%swap3A_194, %swap3A_195] {strides = array<i32>} : memref<8x256xf32, #tpu.memory_space<vmem>>, vector<16xf32>,
      tpu.vector_store %arg7[%swap3A_194, %swap3A_195], %mul3A_192 {strides = array<i32>} : memref<8x256xf32, #tpu.memory_space<vmem>>, vector<16xf32>,
      %mul3A_197 = arith.mulf %exp3A_161, %neg3A_177 : vector<16xf32>
      %swap3A_198 = arith.constant 4 : i32
      %swap3A_199 = arith.index_cast %swap3A_198 : i32 to index
      %swap3A_200 = arith.index_cast %mul3A_127 : i32 to index
      %swap3A_201 = tpu.vector_load %arg7[%swap3A_199, %swap3A_200] {strides = array<i32>} : memref<8x256xf32, #tpu.memory_space<vmem>>, vector<16xf32>,
      tpu.vector_store %arg7[%swap3A_199, %swap3A_200], %mul3A_197 {strides = array<i32>} : memref<8x256xf32, #tpu.memory_space<vmem>>, vector<16xf32>,
      %mul3A_202 = arith.mulf %exp3A_163, %div3A : vector<16xf32>
      %swap3A_203 = arith.constant 5 : i32
      %swap3A_204 = arith.index_cast %swap3A_203 : i32 to index
      %swap3A_205 = arith.index_cast %mul3A_127 : i32 to index
      %swap3A_206 = tpu.vector_load %arg7[%swap3A_204, %swap3A_205] {strides = array<i32>} : memref<8x256xf32, #tpu.memory_space<vmem>>, vector<16xf32>,
      tpu.vector_store %arg7[%swap3A_204, %swap3A_205], %mul3A_202 {strides = array<i32>} : memref<8x256xf32, #tpu.memory_space<vmem>>, vector<16xf32>,
      %mul3A_207 = arith.mulf %exp3A_165, %neg3A_177 : vector<16xf32>
      %swap3A_208 = arith.constant 6 : i32
      %swap3A_209 = arith.index_cast %swap3A_208 : i32 to index
      %swap3A_210 = arith.index_cast %mul3A_127 : i32 to index
      %swap3A_211 = tpu.vector_load %arg7[%swap3A_209, %swap3A_210] {strides = array<i32>} : memref<8x256xf32, #tpu.memory_space<vmem>>, vector<16xf32>,
      tpu.vector_store %arg7[%swap3A_209, %swap3A_210], %mul3A_207 {strides = array<i32>} : memref<8x256xf32, #tpu.memory_space<vmem>>, vector<16xf32>,
      %mul3A_212 = arith.mulf %exp3A_167, %div3A : vector<16xf32>
      %swap3A_213 = arith.constant 7 : i32
      %swap3A_214 = arith.index_cast %swap3A_213 : i32 to index
      %swap3A_215 = arith.index_cast %mul3A_127 : i32 to index
      %swap3A_216 = tpu.vector_load %arg7[%swap3A_214, %swap3A_215] {strides = array<i32>} : memref<8x256xf32, #tpu.memory_space<vmem>>, vector<16xf32>,
      tpu.vector_store %arg7[%swap3A_214, %swap3A_215], %mul3A_212 {strides = array<i32>} : memref<8x256xf32, #tpu.memory_space<vmem>>, vector<16xf32>,
      %scan3A_217 = arith.constant 0 : i32
      scf.yield %scan3A_217 : i32
    }
    %scan3A_92 = arith.constant 16 : i32
    %add3A_93 = arith.constant 512 : i32
    %add3A_94 = arith.addi %mul3A_2, %add3A_93 : i32
    %dma_start3A_95 = arith.constant 0 : i32
    %dma_start3A_96 = tpu.memref_slice %arg4[%dma_start3A_95, %add3A_94] : memref<8x32768xf32, #tpu.memory_space<hbm>> -> memref<8x256xf32, #tpu.memory_space<hbm>>
    %dma_start3A_97 = arith.constant 0 : i32
    %dma_start3A_98 = tpu.memref_slice %arg4[%dma_start3A_97, %add3A_94] : memref<8x32768xf32, #tpu.memory_space<hbm>> -> memref<8x256xf32, #tpu.memory_space<hbm>>
    tpu.enqueue_dma source(%arg7 : memref<8x256xf32, #tpu.memory_space<vmem>>) target(%dma_start3A_98 : memref<8x256xf32, #tpu.memory_space<hbm>>) target_semaphore(%arg11 : memref<!tpu.dma_semaphore, #tpu.memory_space<semaphore_mem>>)
    %dma_wait3A_99 = arith.constant 0 : i32
    %dma_wait3A_100 = tpu.memref_slice %arg2[%add3A_73, %dma_wait3A_99] : memref<65536x128xf32, #tpu.memory_space<hbm>> -> memref<256x128xf32, #tpu.memory_space<hbm>>
    %dma_wait3A_101 = arith.constant 0 : i32
    %dma_wait3A_102 = tpu.memref_slice %arg2[%add3A_73, %dma_wait3A_101] : memref<65536x128xf32, #tpu.memory_space<hbm>> -> memref<256x128xf32, #tpu.memory_space<hbm>>
    tpu.wait_dma2 semaphore(%arg10 : memref<!tpu.dma_semaphore, #tpu.memory_space<semaphore_mem>>) src(%dma_wait3A_102 : memref<256x128xf32, #tpu.memory_space<hbm>>) dst(%arg6 : memref<256x128xf32, #tpu.memory_space<vmem>>)
    %dma_wait3A_103 = arith.constant 0 : i32
    %dma_wait3A_104 = tpu.memref_slice %arg4[%dma_wait3A_103, %add3A_94] : memref<8x32768xf32, #tpu.memory_space<hbm>> -> memref<8x256xf32, #tpu.memory_space<hbm>>
    %dma_wait3A_105 = arith.constant 0 : i32
    %dma_wait3A_106 = tpu.memref_slice %arg4[%dma_wait3A_105, %add3A_94] : memref<8x32768xf32, #tpu.memory_space<hbm>> -> memref<8x256xf32, #tpu.memory_space<hbm>>
    tpu.wait_dma2 semaphore(%arg11 : memref<!tpu.dma_semaphore, #tpu.memory_space<semaphore_mem>>) src(%arg7 : memref<8x256xf32, #tpu.memory_space<vmem>>) dst(%dma_wait3A_106 : memref<8x256xf32, #tpu.memory_space<hbm>>)
    %scan3A_107 = arith.constant 0 : i32
    %scan3A_108 = arith.constant 0 : i32
    %scan3A_109 = arith.constant 16 : i32
    %scan3A_110 = arith.addi %scan3A_108, %scan3A_109 : i32
    %scan3A_111 = arith.constant 1 : i32
    %scan3A_112 = scf.for %scan3A_124 = %scan3A_108 to %scan3A_110 step %scan3A_111 iter_args(%scan3A_125 = %scan3A_107) -> (i32)  : i32 {
      %mul3A_126 = arith.constant 16 : i32
      %mul3A_127 = arith.muli %scan3A_124, %mul3A_126 : i32
      %add3A_128 = vector.broadcast %mul3A_127 : i32 to vector<16xi32>
      %add3A_129 = arith.addi %add3A_128, %iota3A : vector<16xi32>
      %gather3A = tpu.vector_load_idx %arg6[%add3A_129, %broadcast_in_dim3A_4] : memref<256x128xf32, #tpu.memory_space<vmem>>[vector<16xi32>, vector<16xi32>], vector<16xf32>,
      %gather3A_130 = tpu.vector_load_idx %arg6[%add3A_129, %broadcast_in_dim3A_6] : memref<256x128xf32, #tpu.memory_space<vmem>>[vector<16xi32>, vector<16xi32>], vector<16xf32>,
      %gather3A_131 = tpu.vector_load_idx %arg6[%add3A_129, %broadcast_in_dim3A_8] : memref<256x128xf32, #tpu.memory_space<vmem>>[vector<16xi32>, vector<16xi32>], vector<16xf32>,
      %gather3A_132 = tpu.vector_load_idx %arg6[%add3A_129, %broadcast_in_dim3A_10] : memref<256x128xf32, #tpu.memory_space<vmem>>[vector<16xi32>, vector<16xi32>], vector<16xf32>,
      %gather3A_133 = tpu.vector_load_idx %arg6[%add3A_129, %broadcast_in_dim3A_12] : memref<256x128xf32, #tpu.memory_space<vmem>>[vector<16xi32>, vector<16xi32>], vector<16xf32>,
      %gather3A_134 = tpu.vector_load_idx %arg6[%add3A_129, %broadcast_in_dim3A_14] : memref<256x128xf32, #tpu.memory_space<vmem>>[vector<16xi32>, vector<16xi32>], vector<16xf32>,
      %gather3A_135 = tpu.vector_load_idx %arg6[%add3A_129, %broadcast_in_dim3A_16] : memref<256x128xf32, #tpu.memory_space<vmem>>[vector<16xi32>, vector<16xi32>], vector<16xf32>,
      %gather3A_136 = tpu.vector_load_idx %arg6[%add3A_129, %broadcast_in_dim3A_18] : memref<256x128xf32, #tpu.memory_space<vmem>>[vector<16xi32>, vector<16xi32>], vector<16xf32>,
      %neg3A = arith.constant 0.000000e+00 : f32
      %neg3A_137 = vector.broadcast %neg3A : f32 to vector<16xf32>
      %neg3A_138 = arith.subf %neg3A_137, %gather3A : vector<16xf32>
      %neg3A_139 = arith.constant 0.000000e+00 : f32
      %neg3A_140 = vector.broadcast %neg3A_139 : f32 to vector<16xf32>
      %neg3A_141 = arith.subf %neg3A_140, %gather3A_131 : vector<16xf32>
      %neg3A_142 = arith.constant 0.000000e+00 : f32
      %neg3A_143 = vector.broadcast %neg3A_142 : f32 to vector<16xf32>
      %neg3A_144 = arith.subf %neg3A_143, %gather3A_133 : vector<16xf32>
      %neg3A_145 = arith.constant 0.000000e+00 : f32
      %neg3A_146 = vector.broadcast %neg3A_145 : f32 to vector<16xf32>
      %neg3A_147 = arith.subf %neg3A_146, %gather3A_135 : vector<16xf32>
      %max3A = arith.maximumf %neg3A_138, %gather3A_130 : vector<16xf32>
      %max3A_148 = arith.maximumf %max3A, %neg3A_141 : vector<16xf32>
      %max3A_149 = arith.maximumf %max3A_148, %gather3A_132 : vector<16xf32>
      %max3A_150 = arith.maximumf %max3A_149, %neg3A_144 : vector<16xf32>
      %max3A_151 = arith.maximumf %max3A_150, %gather3A_134 : vector<16xf32>
      %max3A_152 = arith.maximumf %max3A_151, %neg3A_147 : vector<16xf32>
      %max3A_153 = arith.maximumf %max3A_152, %gather3A_136 : vector<16xf32>
      %sub3A = arith.subf %neg3A_138, %max3A_153 : vector<16xf32>
      %exp3A = math.exp %sub3A : vector<16xf32>
      %sub3A_154 = arith.subf %gather3A_130, %max3A_153 : vector<16xf32>
      %exp3A_155 = math.exp %sub3A_154 : vector<16xf32>
      %sub3A_156 = arith.subf %neg3A_141, %max3A_153 : vector<16xf32>
      %exp3A_157 = math.exp %sub3A_156 : vector<16xf32>
      %sub3A_158 = arith.subf %gather3A_132, %max3A_153 : vector<16xf32>
      %exp3A_159 = math.exp %sub3A_158 : vector<16xf32>
      %sub3A_160 = arith.subf %neg3A_144, %max3A_153 : vector<16xf32>
      %exp3A_161 = math.exp %sub3A_160 : vector<16xf32>
      %sub3A_162 = arith.subf %gather3A_134, %max3A_153 : vector<16xf32>
      %exp3A_163 = math.exp %sub3A_162 : vector<16xf32>
      %sub3A_164 = arith.subf %neg3A_147, %max3A_153 : vector<16xf32>
      %exp3A_165 = math.exp %sub3A_164 : vector<16xf32>
      %sub3A_166 = arith.subf %gather3A_136, %max3A_153 : vector<16xf32>
      %exp3A_167 = math.exp %sub3A_166 : vector<16xf32>
      %add3A_168 = arith.addf %exp3A, %exp3A_155 : vector<16xf32>
      %add3A_169 = arith.addf %add3A_168, %exp3A_157 : vector<16xf32>
      %add3A_170 = arith.addf %add3A_169, %exp3A_159 : vector<16xf32>
      %add3A_171 = arith.addf %add3A_170, %exp3A_161 : vector<16xf32>
      %add3A_172 = arith.addf %add3A_171, %exp3A_163 : vector<16xf32>
      %add3A_173 = arith.addf %add3A_172, %exp3A_165 : vector<16xf32>
      %add3A_174 = arith.addf %add3A_173, %exp3A_167 : vector<16xf32>
      %div3A = arith.divf %get3A_3, %add3A_174 : vector<16xf32>
      %neg3A_175 = arith.constant 0.000000e+00 : f32
      %neg3A_176 = vector.broadcast %neg3A_175 : f32 to vector<16xf32>
      %neg3A_177 = arith.subf %neg3A_176, %div3A : vector<16xf32>
      %mul3A_178 = arith.mulf %exp3A, %neg3A_177 : vector<16xf32>
      %swap3A = arith.constant 0 : i32
      %swap3A_179 = arith.index_cast %swap3A : i32 to index
      %swap3A_180 = arith.index_cast %mul3A_127 : i32 to index
      %swap3A_181 = tpu.vector_load %arg7[%swap3A_179, %swap3A_180] {strides = array<i32>} : memref<8x256xf32, #tpu.memory_space<vmem>>, vector<16xf32>,
      tpu.vector_store %arg7[%swap3A_179, %swap3A_180], %mul3A_178 {strides = array<i32>} : memref<8x256xf32, #tpu.memory_space<vmem>>, vector<16xf32>,
      %mul3A_182 = arith.mulf %exp3A_155, %div3A : vector<16xf32>
      %swap3A_183 = arith.constant 1 : i32
      %swap3A_184 = arith.index_cast %swap3A_183 : i32 to index
      %swap3A_185 = arith.index_cast %mul3A_127 : i32 to index
      %swap3A_186 = tpu.vector_load %arg7[%swap3A_184, %swap3A_185] {strides = array<i32>} : memref<8x256xf32, #tpu.memory_space<vmem>>, vector<16xf32>,
      tpu.vector_store %arg7[%swap3A_184, %swap3A_185], %mul3A_182 {strides = array<i32>} : memref<8x256xf32, #tpu.memory_space<vmem>>, vector<16xf32>,
      %mul3A_187 = arith.mulf %exp3A_157, %neg3A_177 : vector<16xf32>
      %swap3A_188 = arith.constant 2 : i32
      %swap3A_189 = arith.index_cast %swap3A_188 : i32 to index
      %swap3A_190 = arith.index_cast %mul3A_127 : i32 to index
      %swap3A_191 = tpu.vector_load %arg7[%swap3A_189, %swap3A_190] {strides = array<i32>} : memref<8x256xf32, #tpu.memory_space<vmem>>, vector<16xf32>,
      tpu.vector_store %arg7[%swap3A_189, %swap3A_190], %mul3A_187 {strides = array<i32>} : memref<8x256xf32, #tpu.memory_space<vmem>>, vector<16xf32>,
      %mul3A_192 = arith.mulf %exp3A_159, %div3A : vector<16xf32>
      %swap3A_193 = arith.constant 3 : i32
      %swap3A_194 = arith.index_cast %swap3A_193 : i32 to index
      %swap3A_195 = arith.index_cast %mul3A_127 : i32 to index
      %swap3A_196 = tpu.vector_load %arg7[%swap3A_194, %swap3A_195] {strides = array<i32>} : memref<8x256xf32, #tpu.memory_space<vmem>>, vector<16xf32>,
      tpu.vector_store %arg7[%swap3A_194, %swap3A_195], %mul3A_192 {strides = array<i32>} : memref<8x256xf32, #tpu.memory_space<vmem>>, vector<16xf32>,
      %mul3A_197 = arith.mulf %exp3A_161, %neg3A_177 : vector<16xf32>
      %swap3A_198 = arith.constant 4 : i32
      %swap3A_199 = arith.index_cast %swap3A_198 : i32 to index
      %swap3A_200 = arith.index_cast %mul3A_127 : i32 to index
      %swap3A_201 = tpu.vector_load %arg7[%swap3A_199, %swap3A_200] {strides = array<i32>} : memref<8x256xf32, #tpu.memory_space<vmem>>, vector<16xf32>,
      tpu.vector_store %arg7[%swap3A_199, %swap3A_200], %mul3A_197 {strides = array<i32>} : memref<8x256xf32, #tpu.memory_space<vmem>>, vector<16xf32>,
      %mul3A_202 = arith.mulf %exp3A_163, %div3A : vector<16xf32>
      %swap3A_203 = arith.constant 5 : i32
      %swap3A_204 = arith.index_cast %swap3A_203 : i32 to index
      %swap3A_205 = arith.index_cast %mul3A_127 : i32 to index
      %swap3A_206 = tpu.vector_load %arg7[%swap3A_204, %swap3A_205] {strides = array<i32>} : memref<8x256xf32, #tpu.memory_space<vmem>>, vector<16xf32>,
      tpu.vector_store %arg7[%swap3A_204, %swap3A_205], %mul3A_202 {strides = array<i32>} : memref<8x256xf32, #tpu.memory_space<vmem>>, vector<16xf32>,
      %mul3A_207 = arith.mulf %exp3A_165, %neg3A_177 : vector<16xf32>
      %swap3A_208 = arith.constant 6 : i32
      %swap3A_209 = arith.index_cast %swap3A_208 : i32 to index
      %swap3A_210 = arith.index_cast %mul3A_127 : i32 to index
      %swap3A_211 = tpu.vector_load %arg7[%swap3A_209, %swap3A_210] {strides = array<i32>} : memref<8x256xf32, #tpu.memory_space<vmem>>, vector<16xf32>,
      tpu.vector_store %arg7[%swap3A_209, %swap3A_210], %mul3A_207 {strides = array<i32>} : memref<8x256xf32, #tpu.memory_space<vmem>>, vector<16xf32>,
      %mul3A_212 = arith.mulf %exp3A_167, %div3A : vector<16xf32>
      %swap3A_213 = arith.constant 7 : i32
      %swap3A_214 = arith.index_cast %swap3A_213 : i32 to index
      %swap3A_215 = arith.index_cast %mul3A_127 : i32 to index
      %swap3A_216 = tpu.vector_load %arg7[%swap3A_214, %swap3A_215] {strides = array<i32>} : memref<8x256xf32, #tpu.memory_space<vmem>>, vector<16xf32>,
      tpu.vector_store %arg7[%swap3A_214, %swap3A_215], %mul3A_212 {strides = array<i32>} : memref<8x256xf32, #tpu.memory_space<vmem>>, vector<16xf32>,
      %scan3A_217 = arith.constant 0 : i32
      scf.yield %scan3A_217 : i32
    }
    %scan3A_113 = arith.constant 16 : i32
    %add3A_114 = arith.constant 768 : i32
    %add3A_115 = arith.addi %mul3A_2, %add3A_114 : i32
    %dma_start3A_116 = arith.constant 0 : i32
    %dma_start3A_117 = tpu.memref_slice %arg4[%dma_start3A_116, %add3A_115] : memref<8x32768xf32, #tpu.memory_space<hbm>> -> memref<8x256xf32, #tpu.memory_space<hbm>>
    %dma_start3A_118 = arith.constant 0 : i32
    %dma_start3A_119 = tpu.memref_slice %arg4[%dma_start3A_118, %add3A_115] : memref<8x32768xf32, #tpu.memory_space<hbm>> -> memref<8x256xf32, #tpu.memory_space<hbm>>
    tpu.enqueue_dma source(%arg7 : memref<8x256xf32, #tpu.memory_space<vmem>>) target(%dma_start3A_119 : memref<8x256xf32, #tpu.memory_space<hbm>>) target_semaphore(%arg11 : memref<!tpu.dma_semaphore, #tpu.memory_space<semaphore_mem>>)
    %dma_wait3A_120 = arith.constant 0 : i32
    %dma_wait3A_121 = tpu.memref_slice %arg4[%dma_wait3A_120, %add3A_115] : memref<8x32768xf32, #tpu.memory_space<hbm>> -> memref<8x256xf32, #tpu.memory_space<hbm>>
    %dma_wait3A_122 = arith.constant 0 : i32
    %dma_wait3A_123 = tpu.memref_slice %arg4[%dma_wait3A_122, %add3A_115] : memref<8x32768xf32, #tpu.memory_space<hbm>> -> memref<8x256xf32, #tpu.memory_space<hbm>>
    tpu.wait_dma2 semaphore(%arg11 : memref<!tpu.dma_semaphore, #tpu.memory_space<semaphore_mem>>) src(%arg7 : memref<8x256xf32, #tpu.memory_space<vmem>>) dst(%dma_wait3A_123 : memref<8x256xf32, #tpu.memory_space<hbm>>)
    return
  }
}

module attributes {stable_mosaic.version = 14 : i64} {
  func.func @tc_body(%arg0: i32, %arg1: memref<512x128xf32, #tpu.memory_space<vmem>>, %arg2: memref<128x128xf32, #tpu.memory_space<vmem>>, %arg3: memref<1x1xf32, #tpu.memory_space<smem>>, %arg4: memref<512x8xf32, #tpu.memory_space<vmem>>) attributes {dimension_semantics = [#tpu.dimension_semantics<arbitrary>], iteration_bounds = array<i64: 64>, scalar_prefetch = 0 : i64, scratch_operands = 0 : i64, tpu.core_type = #tpu.core_type<tc>, window_params = [{transform_indices = @transform_0, window_bounds = array<i64: 512, 128>}, {pipeline_mode = #tpu.pipeline_mode<synchronous>, transform_indices = @transform_1, window_bounds = array<i64: 128, 128>}, {transform_indices = @transform_2, window_bounds = array<i64: 1, 1>}, {transform_indices = @transform_3, window_bounds = array<i64: 512, 8>}]} {
    %get3A = arith.constant 0 : index
    %get3A_0 = arith.constant 0 : index
    %get3A_1 = vector.load %arg1[%get3A, %get3A_0] : memref<512x128xf32, #tpu.memory_space<vmem>>, vector<512x128xf32>
    %get3A_2 = arith.constant 0 : index
    %get3A_3 = arith.constant 0 : index
    %get3A_4 = vector.load %arg2[%get3A_2, %get3A_3] : memref<128x128xf32, #tpu.memory_space<vmem>>, vector<128x128xf32>
    %dot_general3A = arith.constant dense<0.000000e+00> : vector<512x128xf32>
    %dot_general3A_5 = tpu.matmul %get3A_1, %get3A_4, %dot_general3A {dimension_numbers = #tpu.dot_dimension_numbers<[1], [0], [0], [1], [0, 0, 1, 1], [], []>, precision = #tpu.contract_precision<fp32>, transpose_lhs_hint = false} : vector<512x128xf32>, vector<128x128xf32>, vector<512x128xf32> -> vector<512x128xf32>
    %iota3A = tpu.iota {dimensions = array<i32: 1>} : vector<512x128xi32>
    %lt3A = arith.constant 8 : i32
    %lt3A_6 = vector.broadcast %lt3A : i32 to vector<512x128xi32>
    %lt3A_7 = arith.cmpi slt, %iota3A, %lt3A_6 : vector<512x128xi32>
    %jit3A = arith.constant -1.000000e+30 : f32
    %broadcast_in_dim3A = vector.broadcast %jit3A : f32 to vector<512x128xf32>
    %select_n3A = arith.select %lt3A_7, %dot_general3A_5, %broadcast_in_dim3A : vector<512x128xi1>, vector<512x128xf32>
    %reduce_max3A = arith.constant dense<0xFF800000> : vector<512xf32>
    %reduce_max3A_8 = vector.multi_reduction <maximumf>, %select_n3A, %reduce_max3A [1] : vector<512x128xf32> to vector<512xf32>
    %broadcast_in_dim3A_9 = vector.shape_cast %reduce_max3A_8 : vector<512xf32> to vector<512x1xf32>
    %sub3A = vector.broadcast %broadcast_in_dim3A_9 : vector<512x1xf32> to vector<512x128xf32>
    %sub3A_10 = arith.subf %dot_general3A_5, %sub3A : vector<512x128xf32>
    %exp3A = math.exp %sub3A_10 : vector<512x128xf32>
    %jit3A_11 = arith.constant 0.000000e+00 : f32
    %broadcast_in_dim3A_12 = vector.broadcast %jit3A_11 : f32 to vector<512x128xf32>
    %select_n3A_13 = arith.select %lt3A_7, %exp3A, %broadcast_in_dim3A_12 : vector<512x128xi1>, vector<512x128xf32>
    %reduce_sum3A = arith.constant dense<0.000000e+00> : vector<512xf32>
    %reduce_sum3A_14 = vector.multi_reduction <add>, %select_n3A_13, %reduce_sum3A [1] : vector<512x128xf32> to vector<512xf32>
    %broadcast_in_dim3A_15 = vector.shape_cast %reduce_sum3A_14 : vector<512xf32> to vector<512x1xf32>
    %get3A_16 = arith.constant 0 : index
    %get3A_17 = arith.constant 0 : index
    %get3A_18 = memref.load %arg3[%get3A_16, %get3A_17] : memref<1x1xf32, #tpu.memory_space<smem>>
    %div3A = vector.broadcast %get3A_18 : f32 to vector<512x1xf32>
    %div3A_19 = arith.divf %div3A, %broadcast_in_dim3A_15 : vector<512x1xf32>
    %jit3A_20 = arith.constant 2 : i32
    %eq3A = arith.constant 0 : i32
    %eq3A_21 = arith.cmpi eq, %jit3A_20, %eq3A : i32
    %jit3A_22 = arith.constant 1 : i32
    %select_n3A_23 = arith.select %eq3A_21, %jit3A_22, %jit3A_20 : i32
    %rem3A = vector.broadcast %select_n3A_23 : i32 to vector<512x128xi32>
    %rem3A_24 = arith.remsi %iota3A, %rem3A : vector<512x128xi32>
    %ne3A = arith.constant 0 : i32
    %ne3A_25 = vector.broadcast %ne3A : i32 to vector<512x128xi32>
    %ne3A_26 = arith.cmpi ne, %rem3A_24, %ne3A_25 : vector<512x128xi32>
    %lt3A_27 = arith.constant 0 : i32
    %lt3A_28 = vector.broadcast %lt3A_27 : i32 to vector<512x128xi32>
    %lt3A_29 = arith.cmpi slt, %rem3A_24, %lt3A_28 : vector<512x128xi32>
    %lt3A_30 = arith.constant 0 : i32
    %lt3A_31 = arith.cmpi slt, %select_n3A_23, %lt3A_30 : i32
    %ne3A_32 = vector.broadcast %lt3A_31 : i1 to vector<512x128xi1>
    %ne3A_33 = vector.broadcast %ne3A_32 : vector<512x128xi1> to vector<512x128xi1>
    %ne3A_34 = arith.xori %lt3A_29, %ne3A_33 : vector<512x128xi1>
    %and3A = arith.andi %ne3A_34, %ne3A_26 : vector<512x128xi1>
    %add3A = vector.broadcast %select_n3A_23 : i32 to vector<512x128xi32>
    %add3A_35 = arith.addi %rem3A_24, %add3A : vector<512x128xi32>
    %select_n3A_36 = arith.select %and3A, %add3A_35, %rem3A_24 : vector<512x128xi1>, vector<512x128xi32>
    %eq3A_37 = arith.constant 0 : i32
    %eq3A_38 = vector.broadcast %eq3A_37 : i32 to vector<512x128xi32>
    %eq3A_39 = arith.cmpi eq, %select_n3A_36, %eq3A_38 : vector<512x128xi32>
    %jit3A_40 = arith.constant -1.000000e+00 : f32
    %jit3A_41 = arith.constant 1.000000e+00 : f32
    %broadcast_in_dim3A_42 = vector.broadcast %jit3A_40 : f32 to vector<512x128xf32>
    %broadcast_in_dim3A_43 = vector.broadcast %jit3A_41 : f32 to vector<512x128xf32>
    %select_n3A_44 = arith.select %eq3A_39, %broadcast_in_dim3A_42, %broadcast_in_dim3A_43 : vector<512x128xi1>, vector<512x128xf32>
    %mul3A = vector.broadcast %div3A_19 : vector<512x1xf32> to vector<512x128xf32>
    %mul3A_45 = arith.mulf %select_n3A_13, %mul3A : vector<512x128xf32>
    %mul3A_46 = arith.mulf %mul3A_45, %select_n3A_44 : vector<512x128xf32>
    %slice3A = vector.extract_strided_slice %mul3A_46 {offsets = [0, 0], sizes = [512, 8], strides = [1, 1]} : vector<512x128xf32> to vector<512x8xf32>
    %swap3A = arith.constant 0 : index
    %swap3A_47 = arith.constant 0 : index
    %swap3A_48 = vector.load %arg4[%swap3A, %swap3A_47] : memref<512x8xf32, #tpu.memory_space<vmem>>, vector<512x8xf32>
    tpu.vector_store %arg4[%swap3A, %swap3A_47], %slice3A {strides = array<i32>} : memref<512x8xf32, #tpu.memory_space<vmem>>, vector<512x8xf32>,
    return
  }
  func.func @transform_0(%arg0: i32) -> (i32, i32) {
    %add3A = arith.constant 64 : i32
    %add3A_0 = arith.addi %arg0, %add3A : i32
    %c0_i32 = arith.constant 0 : i32
    %c0_i32_1 = arith.constant 0 : i32
    return %add3A_0, %c0_i32 : i32, i32
  }
  func.func @transform_1(%arg0: i32) -> (i32, i32) {
    %c0_i32 = arith.constant 0 : i32
    %c0_i32_0 = arith.constant 0 : i32
    %c0_i32_1 = arith.constant 0 : i32
    return %c0_i32, %c0_i32_0 : i32, i32
  }
  func.func @transform_2(%arg0: i32) -> (i32, i32) {
    %c0_i32 = arith.constant 0 : i32
    %c0_i32_0 = arith.constant 0 : i32
    %c0_i32_1 = arith.constant 0 : i32
    return %c0_i32, %c0_i32_0 : i32, i32
  }
  func.func @transform_3(%arg0: i32) -> (i32, i32) {
    %c0_i32 = arith.constant 0 : i32
    %c0_i32_0 = arith.constant 0 : i32
    return %arg0, %c0_i32 : i32, i32
  }
}

</mosaic_0001>

<sc_bundles>
// kernel: kernel.4.cloned.1.call-start
scs
__scs_entry_jumppad:
0x0: {  	(pc) =	sbr.rel $0x88, $3  }
0x1: {  	(tag) =	ssettag $0x0;
	lr =	simm.s32 $0x1  }
0x2: {  	[smem:$0x3F9F] =	sst lr;
	_ =	strace $0xD0000000  }
0x3: {  	_ = 	snop  }
0x4: {  	_ = 	snop  }
0x5: {  	_ = 	snop  }
0x6: {  	_ = 	snop  }
0x7: {  	_ = 	snop  }
__scs_overlays_trampoline_lowered:
0x8: {  	[smem:$0x3FAE] =	sst s0  }
0x9: {  	[smem:$0x3FAF] =	sst s1  }
0xa: {  	[smem:$0x3FB0] =	sst s2  }
0xb: {  	[smem:$0x3FB1] =	sst s3  }
0xc: {  	[smem:$0x3FB2] =	sst s4  }
0xd: {  	[smem:$0x3FB3] =	sst s5  }
0xe: {  	[smem:$0x3FB4] =	sst s6  }
0xf: {  	[smem:$0x3FB5] =	sst s7  }
0x10: {  	[smem:$0x3FB6] =	sst s8  }
0x11: {  	[smem:$0x3FB7] =	sst s9;
	s0 =	simm.s32 @!p0 $0x0  }
0x12: {  	s1 =	sld [smem:$0x3F9D];
	s0 =	simm.s32 @p0 $0x1  }
0x13: {  	[smem:$0x3FB8] =	sst s0;
	s0 =	simm.s32 @!p1 $0x0  }
0x14: {  	s2 =	sld [smem:$0x3F9C];
	s0 =	simm.s32 @p1 $0x1  }
0x15: {  	[smem:$0x3FB9] =	sst s0;
	s0 =	simm.s32 @!p2 $0x0  }
0x16: {  	s3 =	sld [smem:$0x3FDB];
	s0 =	simm.s32 @p2 $0x1  }
0x17: {  	s4 =	simm.s32 $0x1BF5;
	[smem:$0x3FBB] =	sst s0  }
0x18: {  	s0 =	sld [smem:$0x3F9E];
	_ =	swait.ge [sflag:s4], $0x0  }
0x19: {  	s7 =	sld [smem:$0x3F9F]  }
0x1a: {  	s8 =	sadd.s32 $0xFFFFE003, lr  }
0x1b: {  	s9 =	sadd.s32 $0xFFFFFEF7, lr;
	s5 =	simm.s32 $0xFFFFFFFF;
	p2 =	slt.u32 s8, $0xFFFFF086  }
0x1c: {  	p1 =	slt.u32 s9, $0xF7A;
	s5 =	simm.s32 @!p2 $0x0  }
0x1d: {  	s5 =	simm.s32 @p1 $0x1;
	p0 =	seq.s32 s7, s2  }
0x1e: {  	s7 =	smul.u32 @!p0 $0xF7A, s2;
	p2 =	seq.s32 @!p0 s5, $0x0  }
0x1f: {  	s9 =	smul.u32 $0xF7A, s1;
	s8 =	simm.s32 @!p0 $0x1BF5;
	p2 =	por !p2, p0  }
0x20: {  	[sflag:s8] =	ssyncset.s32 @!p0 $0xFFFFF086;
	s6 =	sadd.s32 @!p0 s3, s7;
	s7 =	simm.s32 @!p0 $0x108  }
0x21: {  	s3 =	sadd.s32 s3, s9;
	s6 =	sadd.s32 @!p0 $0x88, s6;
	s7 =	simm.s32 @p2 $0x1082  }
0x22: {  	[simem:s7], [sflag:s8] =	dma.local @!p0 [hbm:s6], $0xF7A  }
0x23: {  	s9 =	sor.u32 $0xD0000000, s2;
	s6 =	simm.s32 $0x108;
	_ =	swait.ge @!p0 [sflag:s8], $0x0  }
0x24: {  	s3 =	sadd.s32 $0x88, s3;
	s6 =	simm.s32 @!p1 $0x1082;
	[sflag:s4] =	ssyncset.s32 $0xFFFFF086  }
0x25: {  	[simem:s6], [sflag:s4] =	dma.local [hbm:s3], $0xF7A  }
0x26: {  	[smem:$0x3F9F] =	sst s1;
	(tag) =	ssettag s2;
	_ =	strace s9  }
0x27: {  	s1 =	sld [smem:$0x3FAF]  }
0x28: {  	s2 =	sld [smem:$0x3FB0]  }
0x29: {  	s4 =	sld [smem:$0x3FB2]  }
0x2a: {  	p0 =	seq.s32 s5, $0x0;
	s5 =	sld [smem:$0x3FB3]  }
0x2b: {  	s6 =	sld [smem:$0x3FB4]  }
0x2c: {  	s7 =	sld [smem:$0x3FB5]  }
0x2d: {  	s3 =	simm.s32 $0x108;
	s8 =	sld [smem:$0x3FB6]  }
0x2e: {  	s3 =	simm.s32 @!p0 $0x1082;
	s9 =	sld [smem:$0x3FB7]  }
0x2f: {  	lr =	sadd.s32 s0, s3;
	s0 =	sld [smem:$0x3FAE]  }
0x30: {  	s3 =	sld [smem:$0x3FB1]  }
0x31: {  	[smem:$0x3FBA] =	sst s10  }
0x32: {  	s10 =	sld [smem:$0x3FB8];
	_ =	sdelay $0x3  }
0x33: {  	p0 =	seq.s32 s10, $0x1;
	s10 =	sld [smem:$0x3FBA];
	_ =	sdelay $0x3  }
0x34: {  	[smem:$0x3FBA] =	sst s10  }
0x35: {  	s10 =	sld [smem:$0x3FB9];
	_ =	sdelay $0x3  }
0x36: {  	p1 =	seq.s32 s10, $0x1;
	s10 =	sld [smem:$0x3FBA];
	_ =	sdelay $0x3  }
0x37: {  	[smem:$0x3FBA] =	sst s10  }
0x38: {  	s10 =	sld [smem:$0x3FBB]  }
0x39: {  	_ = 	snop;
	(pc) =	sbr.ind lr, $3  }
0x3a: {  	_ = 	snop  }
0x3b: {  	_ = 	snop  }
0x3c: {  	p2 =	seq.s32 s10, $0x1;
	s10 =	sld [smem:$0x3FBA]  }
0x3d: {  	_ =	shalt  }
0x3e: {  	_ =	shalt  }
0x3f: {  	_ =	shalt  }
0x40: {  	_ =	shalt  }
0x41: {  	_ =	shalt  }
0x42: {  	_ =	shalt  }
0x43: {  	_ =	shalt  }
0x44: {  	_ =	shalt  }
0x45: {  	_ =	shalt  }
0x46: {  	_ =	shalt  }
0x47: {  	_ =	shalt  }
0x48: {  	_ =	shalt  }
0x49: {  	_ =	shalt  }
0x4a: {  	_ =	shalt  }
0x4b: {  	_ =	shalt  }
0x4c: {  	_ =	shalt  }
0x4d: {  	_ =	shalt  }
0x4e: {  	_ =	shalt  }
0x4f: {  	_ =	shalt  }
0x50: {  	_ =	shalt  }
0x51: {  	_ =	shalt  }
0x52: {  	_ =	shalt  }
0x53: {  	_ =	shalt  }
0x54: {  	_ =	shalt  }
0x55: {  	_ =	shalt  }
0x56: {  	_ =	shalt  }
0x57: {  	_ =	shalt  }
0x58: {  	_ =	shalt  }
0x59: {  	_ =	shalt  }
0x5a: {  	_ =	shalt  }
0x5b: {  	_ =	shalt  }
0x5c: {  	_ =	shalt  }
0x5d: {  	_ =	shalt  }
0x5e: {  	_ =	shalt  }
0x5f: {  	_ =	shalt  }
0x60: {  	_ =	shalt  }
0x61: {  	_ =	shalt  }
0x62: {  	_ =	shalt  }
0x63: {  	_ =	shalt  }
0x64: {  	_ =	shalt  }
0x65: {  	_ =	shalt  }
0x66: {  	_ =	shalt  }
0x67: {  	_ =	shalt  }
0x68: {  	_ =	shalt  }
0x69: {  	_ =	shalt  }
0x6a: {  	_ =	shalt  }
0x6b: {  	_ =	shalt  }
0x6c: {  	_ =	shalt  }
0x6d: {  	_ =	shalt  }
0x6e: {  	_ =	shalt  }
0x6f: {  	_ =	shalt  }
0x70: {  	_ =	shalt  }
0x71: {  	_ =	shalt  }
0x72: {  	_ =	shalt  }
0x73: {  	_ =	shalt  }
0x74: {  	_ =	shalt  }
0x75: {  	_ =	shalt  }
0x76: {  	_ =	shalt  }
0x77: {  	_ =	shalt  }
0x78: {  	_ =	shalt  }
0x79: {  	_ =	shalt  }
0x7a: {  	_ =	shalt  }
0x7b: {  	_ =	shalt  }
0x7c: {  	_ =	shalt  }
0x7d: {  	_ =	shalt  }
0x7e: {  	_ =	shalt  }
0x7f: {  	_ =	shalt  }
0x80: {  	_ =	shalt  }
0x81: {  	_ =	shalt  }
0x82: {  	_ =	shalt  }
0x83: {  	_ =	shalt  }
0x84: {  	_ =	shalt  }
0x85: {  	_ =	shalt  }
0x86: {  	_ =	shalt  }
0x87: {  	_ =	shalt  }
.Lfunc_end0:
.L_simem_size_0:
called_computation_lowered:
.L_overlay_start_0:
0x88: {  	s2 =	sld [smem:$0x3FD9]  }
0x89: {  	s3 =	sld [smem:$0x3FFE];
	_ =	sdelay $0x1  }
0x8a: {  	s1 =	srdreg.scid  }
0x8b: {  	s0 =	sand.u32 $0x1, s1  }
0x8c: {  	s14 =	sshll.u32 s0, $0xA;
	s2 =	sadd.s32 s3, s2  }
0x8d: {  	s2 =	sadd.s32 s2, s14  }
0x8e: {  	[smem:$0x3FC6] =	sst s2  }
0x8f: {  	_ = 	snop  }
0x90: {  	s2 =	sld [smem:$0x3FD0];
	_ =	sdelay $0x2  }
0x91: {  	s4 =	simm.s32 $0xA;
	s5 =	simm.s32 $0x10;
	s15 =	sld [smem:$0x3FC9]  }
0x92: {  	[smem:s5], [sflag:s4] =	dma.local [hbm:s2], $0x1  }
0x93: {  	_ =	swait.eq [sflag:s4], $0x1  }
0x94: {  	[sflag:s4] =	ssyncset.done $0x0  }
0x95: {  	[sflag:s4] =	ssyncadd.s32 $0xFFFFFFFF  }
0x96: {  	s16 =	sld [smem:$0x10];
	(tm) =	ssettm $0x1  }
0x97: {  	s17 =	sld [smem:$0x3FFB];
	_ =	sdelay $0x3  }
0x98: {  	_ =	strace s17  }
0x99: {  	s4 =	sld [smem:$0x3FFC];
	_ =	sdelay $0x3  }
0x9a: {  	_ =	strace s4  }
0x9b: {  	s4 =	sld [smem:$0x3FFD];
	_ =	sdelay $0x3  }
0x9c: {  	_ =	strace s4  }
0x9d: {  	_ =	strace $0x8FFFFFFF  }
0x9e: {  	s18 =	sld [smem:$0x3FDB];
	_ =	sdelay $0x1  }
0x9f: {  	s19 =	simm.s32 $_scs_section_size  }
0xa0: {  	s6 =	simm.s32 $_size__tile_overlayer_lowered;
	s7 =	simm.s32 $_tile_overlayer_lowered  }
0xa1: {  	s22 =	simm.s32 $0x1BFF;
	s21 =	sshll.u32 s7, $0x1;
	s4 =	sadd.s32 s19, s18  }
0xa2: {  	s8 =	simm.s32 $0x0;
	s20 =	sshll.u32 s6, $0x1;
	s6 =	sadd.s32 s21, s4  }
0xa3: {  	[timem:s8], [sflag:s22] =	dma.local [hbm:s6], s20  }
0xa4: {  	_ =	swait.ge [sflag:s22], s20  }
0xa5: {  	s5 =	ssub.s32 $0x0, s20;
	[sflag:s22] =	ssyncset.done $0x0  }
0xa6: {  	[sflag:s22] =	ssyncadd.s32 s5;
	_ =	sdelay $0x1  }
0xa7: {  	s23 =	simm.s32 $0x1B8B  }
0xa8: {  	_ =	swait.ge [sflag:s23], $0x1  }
0xa9: {  	[sflag:s23] =	ssyncset.done $0x0  }
0xaa: {  	s25 =	simm.s32 $0x1B8E;
	s24 =	sld [smem:$0x3FFE];
	[sflag:s23] =	ssyncadd.s32 $0xFFFFFFFF  }
0xab: {  	s26 =	simm.s32 $execute0_lowered;
	[smem:$0x3FD2] =	sst s25  }
0xac: {  	s6 =	sshll.u32 s26, $0x1;
	_ =	strace $0x80000046;
	[dreg:$0x1] =	wrdreg $0xFFFFFFFF  }
0xad: {  	s28 =	simm.s32 $_size_execute0_lowered;
	s4 =	sadd.s32 s4, s6;
	[dreg:$0x0] =	wrdreg $0x0  }
0xae: {  	s6 =	sshll.u32 s28, $0x1;
	[dreg:$0x2] =	wrdreg s4  }
0xaf: {  	[dreg:$0x3] =	wrdreg s6  }
0xb0: {  	[dreg:$0x4] =	wrdreg $0xC0  }
0xb1: {  	_ =	task [dreg:s8], $0x5FFFF  }
0xb2: {  	[dreg:$0x1] =	wrdreg $0xFFFFFFFF  }
0xb3: {  	[dreg:$0x0] =	wrdreg $0x60  }
0xb4: {  	[dreg:$0x2] =	wrdreg s15  }
0xb5: {  	[dreg:$0x3] =	wrdreg s16  }
0xb6: {  	[dreg:$0x4] =	wrdreg s24  }
0xb7: {  	[dreg:$0x5] =	wrdreg $0x9  }
0xb8: {  	_ =	task.clear_ibuf [dreg:s8], $0x6FFFF;
	_ =	strace $0x90000046  }
0xb9: {  	s29 =	simm.s32 $0x9;
	_ =	strace $0x80000048  }
0xba: {  	_ =	swait.ge [sflag:s29], $0x1  }
0xbb: {  	[sflag:s29] =	ssyncadd.s32 $0xFFFFFFFF  }
0xbc: {  	_ =	strace $0x90000048  }
0xbd: {  	_ =	sfence  }
0xbe: {  	s30 =	sld [smem:$0x0];
	_ =	sdelay $0x2  }
0xbf: {  	s31 =	sshll.u32 s1, $0xD;
	s1 =	sshrl.u32 s1, $0x2  }
0xc0: {  	s3 =	sand.u32 $0x4000, s31;
	s1 =	sadd.s32 s1, s30  }
0xc1: {  	s0 =	sor.u32 s3, s0;
	s1 =	sshll.u32 s1, $0x11  }
0xc2: {  	s0 =	sor.u32 s1, s0  }
0xc3: {  	s0 =	sadd.s32 $0x8F2B, s0  }
0xc4: {  	[sflag:s0] =	ssyncadd.remote.s32 $0x1  }
0xc5: {  	_ =	sfence.sel $0xFFFF  }
0xc6: {  	[dreg:$0x0] =	wrdreg $0xFFFFFFFF;
	(pc) =	sbr.abs _section_cstart, $3  }
0xc7: {  	[dreg:$0x1] =	wrdreg $0xFFFFFFFF  }
0xc8: {  	_ =	task.clear_ibuf [dreg:s8], $0x2FFFF;
	_ =	strace $0x9FFFFFFF  }
0xc9: {  	(tm) =	ssettm $0x7FFFFFFF  }
tec
execute0_lowered:
.L_overlay_start_1:
0x0: {  	(tag) =	ssettag $0x1  }
0x1: {  	s9 =	rddreg [dreg:$0x0]  }
0x2: {  	s1 =	rddreg [dreg:$0x1]  }
0x3: {  	s4 =	rddreg [dreg:$0x2]  }
0x4: {  	s0 =	rddreg [dreg:$0x3];
	s5 =	srdreg.scid  }
0x5: {  	s3 =	simm.s32 $0x0;
	s2 =	stileid.u32;
	s15 =	simm.s32 $0x8000  }
0x6: {  	s16 =	simm.s32 $0x1;
	s17 =	simm.s32 $0x10000;
	s18 =	simm.s32 $0x2  }
0x7: {  	s19 =	simm.s32 $0x3;
	s20 =	simm.s32 $0x0;
	s5 =	sand.u32 $0x1, s5  }
0x8: {  	[smem:$0x7FF] =	sst s3;
	s6 =	sshll.u32 s2, $0xB;
	s7 =	sshll.u32 s5, $0xA  }
0x9: {  	s11 =	sadd.s32 $0x800, s4;
	s5 =	ssub.s32 $0x2, s5;
	s7 =	sor.u32 s7, s6  }
0xa: {  	_ =	strace $0x80000047;
	s28 =	sshrl.u32 s5, $0x1;
	s8 =	sor.u32 $0x100, s7  }
0xb: {  	s12 =	ssub.s32 s5, s28;
	s29 =	sshll.u32 s7, $0x4;
	s10 =	sor.u32 $0x200, s7  }
0xc: {  	s6 =	sadd.s32 s11, s7;
	s14 =	sor.u32 $0x300, s7;
	s30 =	sshll.u32 s8, $0x4  }
0xd: {  	s4 =	sadd.s32 s9, s29;
	s13 =	sshll.u32 s10, $0x4;
	s8 =	sadd.s32 s11, s8  }
0xe: {  	s31 =	sshll.u32 s14, $0x4;
	s10 =	sadd.s32 s11, s10;
	s11 =	sadd.s32 s11, s14  }
0xf: {  	v0 =	vlaneseq.u32;
	s12 =	smax.u32 s12, $0x1;
	s14 =	simm.s32 $0x4;
	s5 =	sadd.s32 s9, s30  }
0x10: {  	v0 =	vmul.u32 $0x80, v0;
	s7 =	sadd.s32 s9, s13;
	s9 =	sadd.s32 s9, s31;
	s13 =	simm.s32 $0x10800  }
.LBB2_1:
0x11: {  	[tilespmem:s13], [sflag:$0x4] =	stream.linear.gather [hbm4b:s1+s3], $0x80, $0x38;
	[tilespmem:$0x10880] =	vst v63  }
0x12: {  	_ =	swait.ge [sflag:s14], $0x80  }
0x13: {  	v2 =	vmov s3;
	[sflag:s14] =	ssyncset.done $0x0  }
0x14: {  	v2 =	vshll.u32 v2, $0x7;
	[sflag:s14] =	ssyncadd.s32 $0xFFFFFF80  }
0x15: {  	v2 =	vor.u32 v0, v2;
	v1 =	vld [tilespmem:$0x10800];
	[tilespmem:s3], [sflag:$0x1] =	stream.linear.gather [hbm4b:s4+s3], $0x8000, $0x38  }
0x16: {  	v3 =	vor.u32 $0x3, v2  }
0x17: {  	v4 =	vor.u32 $0x2A, v2;
	[tilespmem:s15], [sflag:$0x2] =	stream.linear.gather [hbm4b:s5+s3], $0x8000, $0x38;
	[tilespmem:$0x10880] =	vst v63  }
0x18: {  	v5 =	vor.u32 $0x11, v2;
	_ =	swait.ge [sflag:s16], $0x8000  }
0x19: {  	v6 =	vor.u32 $0x63, v2;
	[sflag:s16] =	ssyncset.done $0x0  }
0x1a: {  	v7 =	vor.u32 $0x4D, v2;
	[sflag:s16] =	ssyncadd.s32 $0xFFFF8000  }
0x1b: {  	v8 =	vor.u32 $0x5, v2;
	v3 =	vld.idx.msk [tilespmem:v3+s3+$0x0], $0xffff  }
0x1c: {  	v9 =	vor.u32 $0x6E, v2;
	v4 =	vld.idx.msk [tilespmem:v4+s3+$0x0], $0xffff  }
0x1d: {  	v5 =	vld.idx.msk [tilespmem:v5+s3+$0x0], $0xffff  }
0x1e: {  	v2 =	vor.u32 $0x3F, v2;
	v6 =	vld.idx.msk [tilespmem:v6+s3+$0x0], $0xffff  }
0x1f: {  	v7 =	vld.idx.msk [tilespmem:v7+s3+$0x0], $0xffff  }
0x20: {  	v8 =	vld.idx.msk [tilespmem:v8+s3+$0x0], $0xffff;
	v3 =	vsub.f32 $0.0e+00, v3  }
0x21: {  	v9 =	vld.idx.msk [tilespmem:v9+s3+$0x0], $0xffff;
	v4 =	vsub.f32 $0.0e+00, v4  }
0x22: {  	v10 =	vmax.f32 v3, v5  }
0x23: {  	v2 =	vld.idx.msk [tilespmem:v2+s3+$0x0], $0xffff;
	v6 =	vsub.f32 $0.0e+00, v6;
	v10 =	vmax.f32 v10, v4  }
0x24: {  	v10 =	vmax.f32 v10, v7  }
0x25: {  	v8 =	vsub.f32 $0.0e+00, v8;
	v10 =	vmax.f32 v10, v6  }
0x26: {  	v10 =	vmax.f32 v10, v9  }
0x27: {  	v10 =	vmax.f32 v10, v8  }
0x28: {  	v10 =	vmax.f32 v10, v2  }
0x29: {  	v3 =	vsub.f32 v3, v10  }
0x2a: {  	v5 =	vsub.f32 v5, v10  }
0x2b: {  	v3 =	vmul.f32 $1.442695020e+00, v3  }
0x2c: {  	v4 =	vsub.f32 v4, v10;
	v5 =	vmul.f32 $1.442695020e+00, v5  }
0x2d: {  	(erf) = vpow2.f32 v3  }
0x2e: {  	v4 =	vmul.f32 $1.442695020e+00, v4;
	(erf) = vpow2.f32 v5  }
0x2f: {  	v3 =	vsub.f32 v7, v10  }
0x30: {  	(erf) = vpow2.f32 v4;
	v4 =	vsub.f32 v9, v10  }
0x31: {  	v5 =	vsub.f32 v6, v10;
	v3 =	vmul.f32 $1.442695020e+00, v3  }
0x32: {  	v4 =	vmul.f32 $1.442695020e+00, v4  }
0x33: {  	v5 =	vmul.f32 $1.442695020e+00, v5;
	(erf) = vpow2.f32 v3  }
0x34: {  	v3 =	vsub.f32 v8, v10  }
0x35: {  	(erf) = vpow2.f32 v5  }
0x36: {  	v3 =	vmul.f32 $1.442695020e+00, v3;
	(erf) = vpow2.f32 v4;
	v4 =	vpop (erf)  }
0x37: {  	v2 =	vsub.f32 v2, v10;
	v5 =	vpop (erf)  }
0x38: {  	(erf) = vpow2.f32 v3;
	v3 =	vadd.f32 v5, v4  }
0x39: {  	v2 =	vmul.f32 $1.442695020e+00, v2  }
0x3a: {  	v9 =	vpop (erf)  }
0x3b: {  	(erf) = vpow2.f32 v2;
	v2 =	vadd.f32 v3, v9  }
0x3c: {  	v3 =	vpop (erf)  }
0x3d: {  	v2 =	vadd.f32 v2, v3  }
0x3e: {  	v10 =	vpop (erf)  }
0x3f: {  	v2 =	vadd.f32 v2, v10  }
0x40: {  	v6 =	vpop (erf)  }
0x41: {  	v2 =	vadd.f32 v2, v6  }
0x42: {  	v7 =	vpop (erf)  }
0x43: {  	v2 =	vadd.f32 v2, v7  }
0x44: {  	v8 =	vpop (erf)  }
0x45: {  	v2 =	vadd.f32 v2, v8;
	_ =	sdelay $0x1  }
0x46: {  	(erf) = vrcp.f32 v2;
	_ =	sdelay $0x8  }
0x47: {  	v2 =	vpop (erf)  }
0x48: {  	v2 =	vmul.f32 v2, v1;
	_ =	sdelay $0x1  }
0x49: {  	s22 =	sand.u32 $0x70, s3;
	s23 =	sand.u32 $0x400, s3;
	v11 =	vsub.f32 $0.0e+00, v2;
	v5 =	vmul.f32 v2, v5;
	v12 =	vmul.f32 v2, v3  }
0x4a: {  	s21 =	simm.s32 $0x10;
	s26 =	sor.u32 s22, s23;
	v6 =	vmul.f32 v2, v6;
	v2 =	vmul.f32 v2, v8  }
0x4b: {  	v8 =	vmov s21;
	v3 =	vmul.f32 v11, v4;
	[tilespmem:s26+$0x10080] =	vst v5;
	v7 =	vmul.f32 v11, v7  }
0x4c: {  	s24 =	simm.s32 $0x20;
	s23 =	sor.u32 s3, s3;
	s22 =	simm.s32 $0x0;
	v8 =	vshll.u32 v8, $0x7;
	v5 =	vmul.f32 v11, v9;
	[tilespmem:s26+$0x10180] =	vst v12;
	v4 =	vmul.f32 v11, v10  }
.LBB2_2:
0x4d: {  	p0 =	sne.s32 s24, $0xF0  }
0x4e: {  	v8 =	vor.u32 v0, v8;
	[tilespmem:s26+$0x10280] =	vst v6;
	s22 =	sadd.s32 $0x80, s22;
	s25 =	smov.u32 s24;
	s24 =	sadd.s32 $0x10, s24  }
0x4f: {  	v6 =	vor.u32 $0x3, v8;
	v9 =	vor.u32 $0x11, v8;
	v10 =	vor.u32 $0x2A, v8;
	s28 =	sor.u32 s22, s21;
	[tilespmem:s26+$0x10300] =	vst v7  }
0x50: {  	v7 =	vor.u32 $0x4D, v8;
	v11 =	vor.u32 $0x63, v8;
	v12 =	vor.u32 $0x5, v8;
	[tilespmem:s26+$0x10000] =	vst v3  }
0x51: {  	s29 =	sor.u32 $0x380, s23;
	v3 =	vor.u32 $0x6E, v8;
	v8 =	vor.u32 $0x3F, v8;
	s23 =	smov.u32 s28;
	[tilespmem:s26+$0x10100] =	vst v5  }
0x52: {  	[tilespmem:s26+$0x10200] =	vst v4  }
0x53: {  	[tilespmem:s29+$0x10000] =	vst v2  }
0x54: {  	v2 =	vld.idx.msk [tilespmem:v6+s3+$0x0], $0xffff  }
0x55: {  	v4 =	vld.idx.msk [tilespmem:v10+s3+$0x0], $0xffff  }
0x56: {  	v5 =	vld.idx.msk [tilespmem:v9+s3+$0x0], $0xffff  }
0x57: {  	v6 =	vld.idx.msk [tilespmem:v11+s3+$0x0], $0xffff  }
0x58: {  	v7 =	vld.idx.msk [tilespmem:v7+s3+$0x0], $0xffff  }
0x59: {  	v9 =	vld.idx.msk [tilespmem:v12+s3+$0x0], $0xffff  }
0x5a: {  	v2 =	vsub.f32 $0.0e+00, v2;
	v3 =	vld.idx.msk [tilespmem:v3+s3+$0x0], $0xffff  }
0x5b: {  	v4 =	vsub.f32 $0.0e+00, v4  }
0x5c: {  	v10 =	vmax.f32 v2, v5;
	v8 =	vld.idx.msk [tilespmem:v8+s3+$0x0], $0xffff  }
0x5d: {  	v6 =	vsub.f32 $0.0e+00, v6;
	v10 =	vmax.f32 v10, v4  }
0x5e: {  	v10 =	vmax.f32 v10, v7  }
0x5f: {  	v9 =	vsub.f32 $0.0e+00, v9;
	v10 =	vmax.f32 v10, v6  }
0x60: {  	v10 =	vmax.f32 v10, v3  }
0x61: {  	v10 =	vmax.f32 v10, v9  }
0x62: {  	v10 =	vmax.f32 v10, v8  }
0x63: {  	v2 =	vsub.f32 v2, v10;
	v5 =	vsub.f32 v5, v10  }
0x64: {  	v4 =	vsub.f32 v4, v10;
	v7 =	vsub.f32 v7, v10  }
0x65: {  	v6 =	vsub.f32 v6, v10;
	v2 =	vmul.f32 $1.442695020e+00, v2;
	v5 =	vmul.f32 $1.442695020e+00, v5  }
0x66: {  	v3 =	vsub.f32 v3, v10;
	v4 =	vmul.f32 $1.442695020e+00, v4;
	v7 =	vmul.f32 $1.442695020e+00, v7  }
0x67: {  	v9 =	vsub.f32 v9, v10;
	v6 =	vmul.f32 $1.442695020e+00, v6;
	(erf) = vpow2.f32 v2  }
0x68: {  	v2 =	vmul.f32 $1.442695020e+00, v3;
	v3 =	vsub.f32 v8, v10;
	(erf) = vpow2.f32 v5  }
0x69: {  	v5 =	vmul.f32 $1.442695020e+00, v9  }
0x6a: {  	v3 =	vmul.f32 $1.442695020e+00, v3;
	(erf) = vpow2.f32 v4  }
0x6b: {  	(erf) = vpow2.f32 v7;
	_ =	sdelay $0x2  }
0x6c: {  	(erf) = vpow2.f32 v6  }
0x6d: {  	(erf) = vpow2.f32 v2  }
0x6e: {  	v4 =	vpop (erf)  }
0x6f: {  	v2 =	vpop (erf);
	(erf) = vpow2.f32 v5  }
0x70: {  	v6 =	vadd.f32 v2, v4  }
0x71: {  	v9 =	vpop (erf);
	(erf) = vpow2.f32 v3  }
0x72: {  	v3 =	vadd.f32 v6, v9;
	v5 =	vpop (erf);
	_ =	sdelay $0x1  }
0x73: {  	v3 =	vadd.f32 v3, v5  }
0x74: {  	v10 =	vpop (erf)  }
0x75: {  	v3 =	vadd.f32 v3, v10;
	v6 =	vpop (erf);
	_ =	sdelay $0x1  }
0x76: {  	v3 =	vadd.f32 v3, v6;
	v7 =	vpop (erf);
	_ =	sdelay $0x1  }
0x77: {  	v3 =	vadd.f32 v3, v7;
	v8 =	vpop (erf);
	_ =	sdelay $0x1  }
0x78: {  	v3 =	vadd.f32 v3, v8;
	_ =	sdelay $0x1  }
0x79: {  	(erf) = vrcp.f32 v3;
	_ =	sdelay $0x8  }
0x7a: {  	v3 =	vpop (erf)  }
0x7b: {  	v3 =	vmul.f32 v3, v1  }
.Ltmp0:
0x7c: {  	(pc) =	sbr.rel @p0 .LBB2_2-.Ltmp0, $4  }
0x7d: {  	s28 =	sand.u32 $0x400, s22;
	s26 =	sand.u32 $0x70, s21;
	s21 =	smov.u32 s25;
	v11 =	vsub.f32 $0.0e+00, v3;
	v12 =	vmul.f32 v3, v2;
	v13 =	vmul.f32 v3, v5  }
0x7e: {  	s26 =	sor.u32 s26, s28;
	v6 =	vmul.f32 v3, v6;
	v2 =	vmul.f32 v3, v8  }
0x7f: {  	v5 =	vmov s21;
	v3 =	vmul.f32 v11, v4;
	[tilespmem:s26+$0x10080] =	vst v12;
	v7 =	vmul.f32 v11, v7  }
0x80: {  	v8 =	vshll.u32 v5, $0x7;
	v5 =	vmul.f32 v11, v9;
	v4 =	vmul.f32 v11, v10;
	[tilespmem:s26+$0x10180] =	vst v13  }
0x81: {  	v8 =	vor.u32 v0, v8;
	[tilespmem:s26+$0x10280] =	vst v6  }
0x82: {  	[tilespmem:s26+$0x10300] =	vst v7;
	v6 =	vor.u32 $0x3, v8  }
0x83: {  	[tilespmem:s26+$0x10000] =	vst v3;
	v7 =	vor.u32 $0x2A, v8  }
0x84: {  	v3 =	vor.u32 $0x11, v8;
	[tilespmem:s26+$0x10100] =	vst v5  }
0x85: {  	s23 =	sor.u32 $0x380, s23;
	v5 =	vor.u32 $0x63, v8;
	[tilespmem:s26+$0x10200] =	vst v4  }
0x86: {  	v4 =	vor.u32 $0x4D, v8;
	[tilespmem:s23+$0x10000] =	vst v2  }
0x87: {  	v2 =	vor.u32 $0x5, v8;
	v6 =	vld.idx.msk [tilespmem:v6+s3+$0x0], $0xffff  }
0x88: {  	v9 =	vor.u32 $0x6E, v8;
	v7 =	vld.idx.msk [tilespmem:v7+s3+$0x0], $0xffff  }
0x89: {  	v3 =	vld.idx.msk [tilespmem:v3+s3+$0x0], $0xffff  }
0x8a: {  	v8 =	vor.u32 $0x3F, v8;
	v5 =	vld.idx.msk [tilespmem:v5+s3+$0x0], $0xffff  }
0x8b: {  	v4 =	vld.idx.msk [tilespmem:v4+s3+$0x0], $0xffff  }
0x8c: {  	v2 =	vld.idx.msk [tilespmem:v2+s3+$0x0], $0xffff;
	v6 =	vsub.f32 $0.0e+00, v6  }
0x8d: {  	v9 =	vld.idx.msk [tilespmem:v9+s3+$0x0], $0xffff;
	v7 =	vsub.f32 $0.0e+00, v7  }
0x8e: {  	v10 =	vmax.f32 v6, v3  }
0x8f: {  	v8 =	vld.idx.msk [tilespmem:v8+s3+$0x0], $0xffff;
	v5 =	vsub.f32 $0.0e+00, v5;
	v10 =	vmax.f32 v10, v7  }
0x90: {  	v10 =	vmax.f32 v10, v4  }
0x91: {  	v2 =	vsub.f32 $0.0e+00, v2;
	v10 =	vmax.f32 v10, v5  }
0x92: {  	v10 =	vmax.f32 v10, v9  }
0x93: {  	v10 =	vmax.f32 v10, v2  }
0x94: {  	v10 =	vmax.f32 v10, v8  }
0x95: {  	v6 =	vsub.f32 v6, v10  }
0x96: {  	v3 =	vsub.f32 v3, v10  }
0x97: {  	v6 =	vmul.f32 $1.442695020e+00, v6  }
0x98: {  	v7 =	vsub.f32 v7, v10;
	v3 =	vmul.f32 $1.442695020e+00, v3  }
0x99: {  	(erf) = vpow2.f32 v6  }
0x9a: {  	v4 =	vsub.f32 v4, v10;
	v6 =	vmul.f32 $1.442695020e+00, v7;
	(erf) = vpow2.f32 v3  }
0x9b: {  	v3 =	vsub.f32 v5, v10  }
0x9c: {  	v4 =	vmul.f32 $1.442695020e+00, v4;
	v5 =	vsub.f32 v9, v10;
	(erf) = vpow2.f32 v6  }
0x9d: {  	v3 =	vmul.f32 $1.442695020e+00, v3  }
0x9e: {  	(erf) = vpow2.f32 v4;
	v4 =	vmul.f32 $1.442695020e+00, v5;
	_ =	sdelay $0x1  }
0x9f: {  	v2 =	vsub.f32 v2, v10;
	(erf) = vpow2.f32 v3  }
0xa0: {  	v3 =	vsub.f32 v8, v10  }
0xa1: {  	v2 =	vmul.f32 $1.442695020e+00, v2;
	(erf) = vpow2.f32 v4;
	v4 =	vpop (erf)  }
0xa2: {  	v3 =	vmul.f32 $1.442695020e+00, v3;
	v5 =	vpop (erf)  }
0xa3: {  	(erf) = vpow2.f32 v2;
	v2 =	vadd.f32 v5, v4  }
0xa4: {  	v6 =	vpop (erf)  }
0xa5: {  	(erf) = vpow2.f32 v3;
	v2 =	vadd.f32 v2, v6  }
0xa6: {  	v3 =	vpop (erf)  }
0xa7: {  	v2 =	vadd.f32 v2, v3  }
0xa8: {  	v7 =	vpop (erf)  }
0xa9: {  	v2 =	vadd.f32 v2, v7  }
0xaa: {  	v8 =	vpop (erf)  }
0xab: {  	v2 =	vadd.f32 v2, v8  }
0xac: {  	v9 =	vpop (erf)  }
0xad: {  	v2 =	vadd.f32 v2, v9  }
0xae: {  	v10 =	vpop (erf)  }
0xaf: {  	v2 =	vadd.f32 v2, v10;
	_ =	sdelay $0x1  }
0xb0: {  	(erf) = vrcp.f32 v2;
	_ =	sdelay $0x8  }
0xb1: {  	v2 =	vpop (erf)  }
0xb2: {  	v2 =	vmul.f32 v2, v1  }
0xb3: {  	s22 =	sadd.s32 $0x80, s22  }
0xb4: {  	s28 =	sand.u32 $0x70, s21;
	s24 =	sand.u32 $0x400, s22;
	v5 =	vmul.f32 v2, v5  }
0xb5: {  	s23 =	sor.u32 s28, s24;
	v11 =	vsub.f32 $0.0e+00, v2;
	v3 =	vmul.f32 v2, v3  }
0xb6: {  	v8 =	vmul.f32 v2, v8;
	[tilespmem:s23+$0x10080] =	vst v5  }
0xb7: {  	v5 =	vmul.f32 v11, v9;
	[tilespmem:s23+$0x10180] =	vst v3  }
0xb8: {  	v3 =	vmul.f32 v11, v4;
	[tilespmem:s23+$0x10280] =	vst v8  }
0xb9: {  	v4 =	vmul.f32 v11, v6;
	[tilespmem:s23+$0x10300] =	vst v5  }
0xba: {  	v5 =	vmul.f32 v11, v7;
	[tilespmem:s23+$0x10000] =	vst v3  }
0xbb: {  	s29 =	sor.u32 s22, s21;
	v2 =	vmul.f32 v2, v10;
	[tilespmem:s23+$0x10100] =	vst v4  }
0xbc: {  	s21 =	sor.u32 $0x380, s29;
	[tilespmem:s23+$0x10200] =	vst v5  }
0xbd: {  	[tilespmem:s21+$0x10000] =	vst v2;
	s21 =	simm.s32 $0x0  }
0xbe: {  	[hbm4b:s6+s21] =	stream.linear.scatter [tilespmem:s17], [sflag:$0x3], $0x800, $0x38;
	[tilespmem:$0x10880] =	vst v63  }
0xbf: {  	v2 =	vmov s21  }
0xc0: {  	v2 =	vshll.u32 v2, $0x7;
	[tilespmem:s21], [sflag:$0x1] =	stream.linear.gather [hbm4b:s7+s21], $0x8000, $0x38;
	[tilespmem:$0x10880] =	vst v63  }
0xc1: {  	v2 =	vor.u32 v0, v2;
	_ =	swait.ge [sflag:s18], $0x8000  }
0xc2: {  	v3 =	vor.u32 $0x3, v2;
	[sflag:s18] =	ssyncset.done $0x0  }
0xc3: {  	v4 =	vor.u32 $0x2A, v2;
	[sflag:s18] =	ssyncadd.s32 $0xFFFF8000  }
0xc4: {  	v5 =	vor.u32 $0x11, v2;
	_ =	swait.ge [sflag:s19], $0x800  }
0xc5: {  	v6 =	vor.u32 $0x63, v2;
	[sflag:s19] =	ssyncset.done $0x0  }
0xc6: {  	v7 =	vor.u32 $0x4D, v2;
	[sflag:s19] =	ssyncadd.s32 $0xFFFFF800  }
0xc7: {  	v8 =	vor.u32 $0x5, v2;
	v3 =	vld.idx.msk [tilespmem:v3+s15+$0x0], $0xffff  }
0xc8: {  	v9 =	vor.u32 $0x6E, v2;
	v4 =	vld.idx.msk [tilespmem:v4+s15+$0x0], $0xffff  }
0xc9: {  	v5 =	vld.idx.msk [tilespmem:v5+s15+$0x0], $0xffff  }
0xca: {  	v2 =	vor.u32 $0x3F, v2;
	v6 =	vld.idx.msk [tilespmem:v6+s15+$0x0], $0xffff  }
0xcb: {  	v7 =	vld.idx.msk [tilespmem:v7+s15+$0x0], $0xffff  }
0xcc: {  	v8 =	vld.idx.msk [tilespmem:v8+s15+$0x0], $0xffff;
	v3 =	vsub.f32 $0.0e+00, v3  }
0xcd: {  	v9 =	vld.idx.msk [tilespmem:v9+s15+$0x0], $0xffff;
	v4 =	vsub.f32 $0.0e+00, v4  }
0xce: {  	v10 =	vmax.f32 v3, v5  }
0xcf: {  	v2 =	vld.idx.msk [tilespmem:v2+s15+$0x0], $0xffff;
	v6 =	vsub.f32 $0.0e+00, v6;
	v10 =	vmax.f32 v10, v4  }
0xd0: {  	v10 =	vmax.f32 v10, v7  }
0xd1: {  	v8 =	vsub.f32 $0.0e+00, v8;
	v10 =	vmax.f32 v10, v6  }
0xd2: {  	v10 =	vmax.f32 v10, v9  }
0xd3: {  	v10 =	vmax.f32 v10, v8  }
0xd4: {  	v10 =	vmax.f32 v10, v2  }
0xd5: {  	v3 =	vsub.f32 v3, v10  }
0xd6: {  	v5 =	vsub.f32 v5, v10  }
0xd7: {  	v3 =	vmul.f32 $1.442695020e+00, v3  }
0xd8: {  	v4 =	vsub.f32 v4, v10;
	v5 =	vmul.f32 $1.442695020e+00, v5  }
0xd9: {  	(erf) = vpow2.f32 v3  }
0xda: {  	v4 =	vmul.f32 $1.442695020e+00, v4;
	(erf) = vpow2.f32 v5  }
0xdb: {  	v3 =	vsub.f32 v7, v10  }
0xdc: {  	(erf) = vpow2.f32 v4;
	v4 =	vsub.f32 v9, v10  }
0xdd: {  	v5 =	vsub.f32 v6, v10;
	v3 =	vmul.f32 $1.442695020e+00, v3  }
0xde: {  	v4 =	vmul.f32 $1.442695020e+00, v4  }
0xdf: {  	v5 =	vmul.f32 $1.442695020e+00, v5;
	(erf) = vpow2.f32 v3  }
0xe0: {  	v3 =	vsub.f32 v8, v10  }
0xe1: {  	(erf) = vpow2.f32 v5  }
0xe2: {  	v3 =	vmul.f32 $1.442695020e+00, v3;
	(erf) = vpow2.f32 v4;
	v4 =	vpop (erf)  }
0xe3: {  	v2 =	vsub.f32 v2, v10;
	v5 =	vpop (erf)  }
0xe4: {  	(erf) = vpow2.f32 v3;
	v3 =	vadd.f32 v5, v4  }
0xe5: {  	v2 =	vmul.f32 $1.442695020e+00, v2  }
0xe6: {  	v9 =	vpop (erf)  }
0xe7: {  	(erf) = vpow2.f32 v2;
	v2 =	vadd.f32 v3, v9  }
0xe8: {  	v3 =	vpop (erf)  }
0xe9: {  	v2 =	vadd.f32 v2, v3  }
0xea: {  	v10 =	vpop (erf)  }
0xeb: {  	v2 =	vadd.f32 v2, v10  }
0xec: {  	v6 =	vpop (erf)  }
0xed: {  	v2 =	vadd.f32 v2, v6  }
0xee: {  	v7 =	vpop (erf)  }
0xef: {  	v2 =	vadd.f32 v2, v7  }
0xf0: {  	v8 =	vpop (erf)  }
0xf1: {  	v2 =	vadd.f32 v2, v8;
	_ =	sdelay $0x1  }
0xf2: {  	(erf) = vrcp.f32 v2;
	_ =	sdelay $0x8  }
0xf3: {  	v2 =	vpop (erf)  }
0xf4: {  	v2 =	vmul.f32 v2, v1;
	_ =	sdelay $0x1  }
0xf5: {  	s30 =	sand.u32 $0x70, s21;
	s31 =	sand.u32 $0x400, s21;
	v11 =	vsub.f32 $0.0e+00, v2;
	v5 =	vmul.f32 v2, v5;
	v12 =	vmul.f32 v2, v3  }
0xf6: {  	s22 =	simm.s32 $0x10;
	s26 =	sor.u32 s30, s31;
	v6 =	vmul.f32 v2, v6;
	v2 =	vmul.f32 v2, v8  }
0xf7: {  	v8 =	vmov s22;
	v3 =	vmul.f32 v11, v4;
	[tilespmem:s26+$0x10080] =	vst v5;
	v7 =	vmul.f32 v11, v7  }
0xf8: {  	s24 =	simm.s32 $0x20;
	s23 =	sor.u32 s21, s21;
	v8 =	vshll.u32 v8, $0x7;
	v5 =	vmul.f32 v11, v9;
	[tilespmem:s26+$0x10180] =	vst v12;
	v4 =	vmul.f32 v11, v10  }
.LBB2_4:
0xf9: {  	p0 =	sne.s32 s24, $0xF0  }
0xfa: {  	v8 =	vor.u32 v0, v8;
	[tilespmem:s26+$0x10280] =	vst v6;
	s21 =	sadd.s32 $0x80, s21;
	s25 =	smov.u32 s24;
	s24 =	sadd.s32 $0x10, s24  }
0xfb: {  	v6 =	vor.u32 $0x3, v8;
	v9 =	vor.u32 $0x11, v8;
	v10 =	vor.u32 $0x2A, v8;
	s28 =	sor.u32 s21, s22;
	[tilespmem:s26+$0x10300] =	vst v7  }
0xfc: {  	v7 =	vor.u32 $0x4D, v8;
	v11 =	vor.u32 $0x63, v8;
	v12 =	vor.u32 $0x5, v8;
	[tilespmem:s26+$0x10000] =	vst v3  }
0xfd: {  	s29 =	sor.u32 $0x380, s23;
	v3 =	vor.u32 $0x6E, v8;
	v8 =	vor.u32 $0x3F, v8;
	s23 =	smov.u32 s28;
	[tilespmem:s26+$0x10100] =	vst v5  }
0xfe: {  	[tilespmem:s26+$0x10200] =	vst v4  }
0xff: {  	[tilespmem:s29+$0x10000] =	vst v2  }
0x100: {  	v2 =	vld.idx.msk [tilespmem:v6+s15+$0x0], $0xffff  }
0x101: {  	v4 =	vld.idx.msk [tilespmem:v10+s15+$0x0], $0xffff  }
0x102: {  	v5 =	vld.idx.msk [tilespmem:v9+s15+$0x0], $0xffff  }
0x103: {  	v6 =	vld.idx.msk [tilespmem:v11+s15+$0x0], $0xffff  }
0x104: {  	v7 =	vld.idx.msk [tilespmem:v7+s15+$0x0], $0xffff  }
0x105: {  	v9 =	vld.idx.msk [tilespmem:v12+s15+$0x0], $0xffff  }
0x106: {  	v2 =	vsub.f32 $0.0e+00, v2;
	v3 =	vld.idx.msk [tilespmem:v3+s15+$0x0], $0xffff  }
0x107: {  	v4 =	vsub.f32 $0.0e+00, v4  }
0x108: {  	v10 =	vmax.f32 v2, v5;
	v8 =	vld.idx.msk [tilespmem:v8+s15+$0x0], $0xffff  }
0x109: {  	v6 =	vsub.f32 $0.0e+00, v6;
	v10 =	vmax.f32 v10, v4  }
0x10a: {  	v10 =	vmax.f32 v10, v7  }
0x10b: {  	v9 =	vsub.f32 $0.0e+00, v9;
	v10 =	vmax.f32 v10, v6  }
0x10c: {  	v10 =	vmax.f32 v10, v3  }
0x10d: {  	v10 =	vmax.f32 v10, v9  }
0x10e: {  	v10 =	vmax.f32 v10, v8  }
0x10f: {  	v2 =	vsub.f32 v2, v10;
	v5 =	vsub.f32 v5, v10  }
0x110: {  	v4 =	vsub.f32 v4, v10;
	v7 =	vsub.f32 v7, v10  }
0x111: {  	v6 =	vsub.f32 v6, v10;
	v2 =	vmul.f32 $1.442695020e+00, v2;
	v5 =	vmul.f32 $1.442695020e+00, v5  }
0x112: {  	v3 =	vsub.f32 v3, v10;
	v4 =	vmul.f32 $1.442695020e+00, v4;
	v7 =	vmul.f32 $1.442695020e+00, v7  }
0x113: {  	v9 =	vsub.f32 v9, v10;
	v6 =	vmul.f32 $1.442695020e+00, v6;
	(erf) = vpow2.f32 v2  }
0x114: {  	v2 =	vmul.f32 $1.442695020e+00, v3;
	v3 =	vsub.f32 v8, v10;
	(erf) = vpow2.f32 v5  }
0x115: {  	v5 =	vmul.f32 $1.442695020e+00, v9  }
0x116: {  	v3 =	vmul.f32 $1.442695020e+00, v3;
	(erf) = vpow2.f32 v4  }
0x117: {  	(erf) = vpow2.f32 v7;
	_ =	sdelay $0x2  }
0x118: {  	(erf) = vpow2.f32 v6  }
0x119: {  	(erf) = vpow2.f32 v2  }
0x11a: {  	v4 =	vpop (erf)  }
0x11b: {  	v2 =	vpop (erf);
	(erf) = vpow2.f32 v5  }
0x11c: {  	v6 =	vadd.f32 v2, v4  }
0x11d: {  	v9 =	vpop (erf);
	(erf) = vpow2.f32 v3  }
0x11e: {  	v3 =	vadd.f32 v6, v9;
	v5 =	vpop (erf);
	_ =	sdelay $0x1  }
0x11f: {  	v3 =	vadd.f32 v3, v5  }
0x120: {  	v10 =	vpop (erf)  }
0x121: {  	v3 =	vadd.f32 v3, v10;
	v6 =	vpop (erf);
	_ =	sdelay $0x1  }
0x122: {  	v3 =	vadd.f32 v3, v6;
	v7 =	vpop (erf);
	_ =	sdelay $0x1  }
0x123: {  	v3 =	vadd.f32 v3, v7;
	v8 =	vpop (erf);
	_ =	sdelay $0x1  }
0x124: {  	v3 =	vadd.f32 v3, v8;
	_ =	sdelay $0x1  }
0x125: {  	(erf) = vrcp.f32 v3;
	_ =	sdelay $0x8  }
0x126: {  	v3 =	vpop (erf)  }
0x127: {  	v3 =	vmul.f32 v3, v1  }
.Ltmp1:
0x128: {  	(pc) =	sbr.rel @p0 .LBB2_4-.Ltmp1, $4  }
0x129: {  	s28 =	sand.u32 $0x400, s21;
	s26 =	sand.u32 $0x70, s22;
	s22 =	smov.u32 s25;
	v11 =	vsub.f32 $0.0e+00, v3;
	v12 =	vmul.f32 v3, v2;
	v13 =	vmul.f32 v3, v5  }
0x12a: {  	s26 =	sor.u32 s26, s28;
	v6 =	vmul.f32 v3, v6;
	v2 =	vmul.f32 v3, v8  }
0x12b: {  	v5 =	vmov s22;
	v3 =	vmul.f32 v11, v4;
	[tilespmem:s26+$0x10080] =	vst v12;
	v7 =	vmul.f32 v11, v7  }
0x12c: {  	v8 =	vshll.u32 v5, $0x7;
	v5 =	vmul.f32 v11, v9;
	v4 =	vmul.f32 v11, v10;
	[tilespmem:s26+$0x10180] =	vst v13  }
0x12d: {  	v8 =	vor.u32 v0, v8;
	[tilespmem:s26+$0x10280] =	vst v6  }
0x12e: {  	[tilespmem:s26+$0x10300] =	vst v7;
	v6 =	vor.u32 $0x3, v8  }
0x12f: {  	[tilespmem:s26+$0x10000] =	vst v3;
	v7 =	vor.u32 $0x2A, v8  }
0x130: {  	v3 =	vor.u32 $0x11, v8;
	[tilespmem:s26+$0x10100] =	vst v5  }
0x131: {  	s23 =	sor.u32 $0x380, s23;
	v5 =	vor.u32 $0x63, v8;
	[tilespmem:s26+$0x10200] =	vst v4  }
0x132: {  	v4 =	vor.u32 $0x4D, v8;
	[tilespmem:s23+$0x10000] =	vst v2  }
0x133: {  	v2 =	vor.u32 $0x5, v8;
	v6 =	vld.idx.msk [tilespmem:v6+s15+$0x0], $0xffff  }
0x134: {  	v9 =	vor.u32 $0x6E, v8;
	v7 =	vld.idx.msk [tilespmem:v7+s15+$0x0], $0xffff  }
0x135: {  	v3 =	vld.idx.msk [tilespmem:v3+s15+$0x0], $0xffff  }
0x136: {  	v8 =	vor.u32 $0x3F, v8;
	v5 =	vld.idx.msk [tilespmem:v5+s15+$0x0], $0xffff  }
0x137: {  	v4 =	vld.idx.msk [tilespmem:v4+s15+$0x0], $0xffff  }
0x138: {  	v2 =	vld.idx.msk [tilespmem:v2+s15+$0x0], $0xffff;
	v6 =	vsub.f32 $0.0e+00, v6  }
0x139: {  	v9 =	vld.idx.msk [tilespmem:v9+s15+$0x0], $0xffff;
	v7 =	vsub.f32 $0.0e+00, v7  }
0x13a: {  	v10 =	vmax.f32 v6, v3  }
0x13b: {  	v8 =	vld.idx.msk [tilespmem:v8+s15+$0x0], $0xffff;
	v5 =	vsub.f32 $0.0e+00, v5;
	v10 =	vmax.f32 v10, v7  }
0x13c: {  	v10 =	vmax.f32 v10, v4  }
0x13d: {  	v2 =	vsub.f32 $0.0e+00, v2;
	v10 =	vmax.f32 v10, v5  }
0x13e: {  	v10 =	vmax.f32 v10, v9  }
0x13f: {  	v10 =	vmax.f32 v10, v2  }
0x140: {  	v10 =	vmax.f32 v10, v8  }
0x141: {  	v6 =	vsub.f32 v6, v10  }
0x142: {  	v3 =	vsub.f32 v3, v10  }
0x143: {  	v6 =	vmul.f32 $1.442695020e+00, v6  }
0x144: {  	v7 =	vsub.f32 v7, v10;
	v3 =	vmul.f32 $1.442695020e+00, v3  }
0x145: {  	(erf) = vpow2.f32 v6  }
0x146: {  	v4 =	vsub.f32 v4, v10;
	v6 =	vmul.f32 $1.442695020e+00, v7;
	(erf) = vpow2.f32 v3  }
0x147: {  	v3 =	vsub.f32 v5, v10  }
0x148: {  	v4 =	vmul.f32 $1.442695020e+00, v4;
	v5 =	vsub.f32 v9, v10;
	(erf) = vpow2.f32 v6  }
0x149: {  	v3 =	vmul.f32 $1.442695020e+00, v3  }
0x14a: {  	(erf) = vpow2.f32 v4;
	v4 =	vmul.f32 $1.442695020e+00, v5;
	_ =	sdelay $0x1  }
0x14b: {  	v2 =	vsub.f32 v2, v10;
	(erf) = vpow2.f32 v3  }
0x14c: {  	v3 =	vsub.f32 v8, v10  }
0x14d: {  	v2 =	vmul.f32 $1.442695020e+00, v2;
	(erf) = vpow2.f32 v4;
	v4 =	vpop (erf)  }
0x14e: {  	v3 =	vmul.f32 $1.442695020e+00, v3;
	v5 =	vpop (erf)  }
0x14f: {  	(erf) = vpow2.f32 v2;
	v2 =	vadd.f32 v5, v4  }
0x150: {  	v6 =	vpop (erf)  }
0x151: {  	(erf) = vpow2.f32 v3;
	v2 =	vadd.f32 v2, v6  }
0x152: {  	v3 =	vpop (erf)  }
0x153: {  	v2 =	vadd.f32 v2, v3  }
0x154: {  	v7 =	vpop (erf)  }
0x155: {  	v2 =	vadd.f32 v2, v7  }
0x156: {  	v8 =	vpop (erf)  }
0x157: {  	v2 =	vadd.f32 v2, v8  }
0x158: {  	v9 =	vpop (erf)  }
0x159: {  	v2 =	vadd.f32 v2, v9  }
0x15a: {  	v10 =	vpop (erf)  }
0x15b: {  	v2 =	vadd.f32 v2, v10;
	_ =	sdelay $0x1  }
0x15c: {  	(erf) = vrcp.f32 v2;
	_ =	sdelay $0x8  }
0x15d: {  	v2 =	vpop (erf)  }
0x15e: {  	v2 =	vmul.f32 v2, v1  }
0x15f: {  	s21 =	sadd.s32 $0x80, s21  }
0x160: {  	s29 =	sand.u32 $0x70, s22;
	s24 =	sand.u32 $0x400, s21;
	v5 =	vmul.f32 v2, v5  }
0x161: {  	s23 =	sor.u32 s29, s24;
	v11 =	vsub.f32 $0.0e+00, v2;
	v3 =	vmul.f32 v2, v3  }
0x162: {  	v8 =	vmul.f32 v2, v8;
	[tilespmem:s23+$0x10080] =	vst v5  }
0x163: {  	v5 =	vmul.f32 v11, v9;
	[tilespmem:s23+$0x10180] =	vst v3  }
0x164: {  	v3 =	vmul.f32 v11, v4;
	[tilespmem:s23+$0x10280] =	vst v8  }
0x165: {  	v4 =	vmul.f32 v11, v6;
	[tilespmem:s23+$0x10300] =	vst v5  }
0x166: {  	v5 =	vmul.f32 v11, v7;
	[tilespmem:s23+$0x10000] =	vst v3  }
0x167: {  	s21 =	sor.u32 s21, s22;
	v2 =	vmul.f32 v2, v10;
	[tilespmem:s23+$0x10100] =	vst v4  }
0x168: {  	s21 =	sor.u32 $0x380, s21;
	[tilespmem:s23+$0x10200] =	vst v5  }
0x169: {  	[tilespmem:s21+$0x10000] =	vst v2;
	s21 =	simm.s32 $0x0  }
0x16a: {  	[hbm4b:s8+s21] =	stream.linear.scatter [tilespmem:s17], [sflag:$0x3], $0x800, $0x38;
	[tilespmem:$0x10880] =	vst v63  }
0x16b: {  	v2 =	vmov s21  }
0x16c: {  	v2 =	vshll.u32 v2, $0x7;
	[tilespmem:s15], [sflag:$0x2] =	stream.linear.gather [hbm4b:s9+s21], $0x8000, $0x38;
	[tilespmem:$0x10880] =	vst v63  }
0x16d: {  	v2 =	vor.u32 v0, v2;
	_ =	swait.ge [sflag:s16], $0x8000  }
0x16e: {  	v3 =	vor.u32 $0x3, v2;
	[sflag:s16] =	ssyncset.done $0x0  }
0x16f: {  	v4 =	vor.u32 $0x2A, v2;
	[sflag:s16] =	ssyncadd.s32 $0xFFFF8000  }
0x170: {  	v5 =	vor.u32 $0x11, v2;
	_ =	swait.ge [sflag:s19], $0x800  }
0x171: {  	v6 =	vor.u32 $0x63, v2;
	[sflag:s19] =	ssyncset.done $0x0  }
0x172: {  	v7 =	vor.u32 $0x4D, v2;
	[sflag:s19] =	ssyncadd.s32 $0xFFFFF800  }
0x173: {  	v8 =	vor.u32 $0x5, v2;
	v3 =	vld.idx.msk [tilespmem:v3+s3+$0x0], $0xffff  }
0x174: {  	v9 =	vor.u32 $0x6E, v2;
	v4 =	vld.idx.msk [tilespmem:v4+s3+$0x0], $0xffff  }
0x175: {  	v5 =	vld.idx.msk [tilespmem:v5+s3+$0x0], $0xffff  }
0x176: {  	v2 =	vor.u32 $0x3F, v2;
	v6 =	vld.idx.msk [tilespmem:v6+s3+$0x0], $0xffff  }
0x177: {  	v7 =	vld.idx.msk [tilespmem:v7+s3+$0x0], $0xffff  }
0x178: {  	v8 =	vld.idx.msk [tilespmem:v8+s3+$0x0], $0xffff;
	v3 =	vsub.f32 $0.0e+00, v3  }
0x179: {  	v9 =	vld.idx.msk [tilespmem:v9+s3+$0x0], $0xffff;
	v4 =	vsub.f32 $0.0e+00, v4  }
0x17a: {  	v10 =	vmax.f32 v3, v5  }
0x17b: {  	v2 =	vld.idx.msk [tilespmem:v2+s3+$0x0], $0xffff;
	v6 =	vsub.f32 $0.0e+00, v6;
	v10 =	vmax.f32 v10, v4  }
0x17c: {  	v10 =	vmax.f32 v10, v7  }
0x17d: {  	v8 =	vsub.f32 $0.0e+00, v8;
	v10 =	vmax.f32 v10, v6  }
0x17e: {  	v10 =	vmax.f32 v10, v9  }
0x17f: {  	v10 =	vmax.f32 v10, v8  }
0x180: {  	v10 =	vmax.f32 v10, v2  }
0x181: {  	v3 =	vsub.f32 v3, v10  }
0x182: {  	v5 =	vsub.f32 v5, v10  }
0x183: {  	v3 =	vmul.f32 $1.442695020e+00, v3  }
0x184: {  	v4 =	vsub.f32 v4, v10;
	v5 =	vmul.f32 $1.442695020e+00, v5  }
0x185: {  	(erf) = vpow2.f32 v3  }
0x186: {  	v4 =	vmul.f32 $1.442695020e+00, v4;
	(erf) = vpow2.f32 v5  }
0x187: {  	v3 =	vsub.f32 v7, v10  }
0x188: {  	(erf) = vpow2.f32 v4;
	v4 =	vsub.f32 v9, v10  }
0x189: {  	v5 =	vsub.f32 v6, v10;
	v3 =	vmul.f32 $1.442695020e+00, v3  }
0x18a: {  	v4 =	vmul.f32 $1.442695020e+00, v4  }
0x18b: {  	v5 =	vmul.f32 $1.442695020e+00, v5;
	(erf) = vpow2.f32 v3  }
0x18c: {  	v3 =	vsub.f32 v8, v10  }
0x18d: {  	(erf) = vpow2.f32 v5  }
0x18e: {  	v3 =	vmul.f32 $1.442695020e+00, v3;
	(erf) = vpow2.f32 v4;
	v4 =	vpop (erf)  }
0x18f: {  	v2 =	vsub.f32 v2, v10;
	v5 =	vpop (erf)  }
0x190: {  	(erf) = vpow2.f32 v3;
	v3 =	vadd.f32 v5, v4  }
0x191: {  	v2 =	vmul.f32 $1.442695020e+00, v2  }
0x192: {  	v9 =	vpop (erf)  }
0x193: {  	(erf) = vpow2.f32 v2;
	v2 =	vadd.f32 v3, v9  }
0x194: {  	v3 =	vpop (erf)  }
0x195: {  	v2 =	vadd.f32 v2, v3  }
0x196: {  	v10 =	vpop (erf)  }
0x197: {  	v2 =	vadd.f32 v2, v10  }
0x198: {  	v6 =	vpop (erf)  }
0x199: {  	v2 =	vadd.f32 v2, v6  }
0x19a: {  	v7 =	vpop (erf)  }
0x19b: {  	v2 =	vadd.f32 v2, v7  }
0x19c: {  	v8 =	vpop (erf)  }
0x19d: {  	v2 =	vadd.f32 v2, v8;
	_ =	sdelay $0x1  }
0x19e: {  	(erf) = vrcp.f32 v2;
	_ =	sdelay $0x8  }
0x19f: {  	v2 =	vpop (erf)  }
0x1a0: {  	v2 =	vmul.f32 v2, v1;
	_ =	sdelay $0x1  }
0x1a1: {  	s30 =	sand.u32 $0x70, s21;
	s31 =	sand.u32 $0x400, s21;
	v11 =	vsub.f32 $0.0e+00, v2;
	v5 =	vmul.f32 v2, v5;
	v12 =	vmul.f32 v2, v3  }
0x1a2: {  	s22 =	simm.s32 $0x10;
	s26 =	sor.u32 s30, s31;
	v6 =	vmul.f32 v2, v6;
	v2 =	vmul.f32 v2, v8  }
0x1a3: {  	v8 =	vmov s22;
	v3 =	vmul.f32 v11, v4;
	[tilespmem:s26+$0x10080] =	vst v5;
	v7 =	vmul.f32 v11, v7  }
0x1a4: {  	s24 =	simm.s32 $0x20;
	s23 =	sor.u32 s21, s21;
	v8 =	vshll.u32 v8, $0x7;
	v5 =	vmul.f32 v11, v9;
	[tilespmem:s26+$0x10180] =	vst v12;
	v4 =	vmul.f32 v11, v10  }
.LBB2_6:
0x1a5: {  	p0 =	sne.s32 s24, $0xF0  }
0x1a6: {  	v8 =	vor.u32 v0, v8;
	[tilespmem:s26+$0x10280] =	vst v6;
	s21 =	sadd.s32 $0x80, s21;
	s25 =	smov.u32 s24;
	s24 =	sadd.s32 $0x10, s24  }
0x1a7: {  	v6 =	vor.u32 $0x3, v8;
	v9 =	vor.u32 $0x11, v8;
	v10 =	vor.u32 $0x2A, v8;
	s28 =	sor.u32 s21, s22;
	[tilespmem:s26+$0x10300] =	vst v7  }
0x1a8: {  	v7 =	vor.u32 $0x4D, v8;
	v11 =	vor.u32 $0x63, v8;
	v12 =	vor.u32 $0x5, v8;
	[tilespmem:s26+$0x10000] =	vst v3  }
0x1a9: {  	s29 =	sor.u32 $0x380, s23;
	v3 =	vor.u32 $0x6E, v8;
	v8 =	vor.u32 $0x3F, v8;
	s23 =	smov.u32 s28;
	[tilespmem:s26+$0x10100] =	vst v5  }
0x1aa: {  	[tilespmem:s26+$0x10200] =	vst v4  }
0x1ab: {  	[tilespmem:s29+$0x10000] =	vst v2  }
0x1ac: {  	v2 =	vld.idx.msk [tilespmem:v6+s3+$0x0], $0xffff  }
0x1ad: {  	v4 =	vld.idx.msk [tilespmem:v10+s3+$0x0], $0xffff  }
0x1ae: {  	v5 =	vld.idx.msk [tilespmem:v9+s3+$0x0], $0xffff  }
0x1af: {  	v6 =	vld.idx.msk [tilespmem:v11+s3+$0x0], $0xffff  }
0x1b0: {  	v7 =	vld.idx.msk [tilespmem:v7+s3+$0x0], $0xffff  }
0x1b1: {  	v9 =	vld.idx.msk [tilespmem:v12+s3+$0x0], $0xffff  }
0x1b2: {  	v2 =	vsub.f32 $0.0e+00, v2;
	v3 =	vld.idx.msk [tilespmem:v3+s3+$0x0], $0xffff  }
0x1b3: {  	v4 =	vsub.f32 $0.0e+00, v4  }
0x1b4: {  	v10 =	vmax.f32 v2, v5;
	v8 =	vld.idx.msk [tilespmem:v8+s3+$0x0], $0xffff  }
0x1b5: {  	v6 =	vsub.f32 $0.0e+00, v6;
	v10 =	vmax.f32 v10, v4  }
0x1b6: {  	v10 =	vmax.f32 v10, v7  }
0x1b7: {  	v9 =	vsub.f32 $0.0e+00, v9;
	v10 =	vmax.f32 v10, v6  }
0x1b8: {  	v10 =	vmax.f32 v10, v3  }
0x1b9: {  	v10 =	vmax.f32 v10, v9  }
0x1ba: {  	v10 =	vmax.f32 v10, v8  }
0x1bb: {  	v2 =	vsub.f32 v2, v10;
	v5 =	vsub.f32 v5, v10  }
0x1bc: {  	v4 =	vsub.f32 v4, v10;
	v7 =	vsub.f32 v7, v10  }
0x1bd: {  	v6 =	vsub.f32 v6, v10;
	v2 =	vmul.f32 $1.442695020e+00, v2;
	v5 =	vmul.f32 $1.442695020e+00, v5  }
0x1be: {  	v3 =	vsub.f32 v3, v10;
	v4 =	vmul.f32 $1.442695020e+00, v4;
	v7 =	vmul.f32 $1.442695020e+00, v7  }
0x1bf: {  	v9 =	vsub.f32 v9, v10;
	v6 =	vmul.f32 $1.442695020e+00, v6;
	(erf) = vpow2.f32 v2  }
0x1c0: {  	v2 =	vmul.f32 $1.442695020e+00, v3;
	v3 =	vsub.f32 v8, v10;
	(erf) = vpow2.f32 v5  }
0x1c1: {  	v5 =	vmul.f32 $1.442695020e+00, v9  }
0x1c2: {  	v3 =	vmul.f32 $1.442695020e+00, v3;
	(erf) = vpow2.f32 v4  }
0x1c3: {  	(erf) = vpow2.f32 v7;
	_ =	sdelay $0x2  }
0x1c4: {  	(erf) = vpow2.f32 v6  }
0x1c5: {  	(erf) = vpow2.f32 v2  }
0x1c6: {  	v4 =	vpop (erf)  }
0x1c7: {  	v2 =	vpop (erf);
	(erf) = vpow2.f32 v5  }
0x1c8: {  	v6 =	vadd.f32 v2, v4  }
0x1c9: {  	v9 =	vpop (erf);
	(erf) = vpow2.f32 v3  }
0x1ca: {  	v3 =	vadd.f32 v6, v9;
	v5 =	vpop (erf);
	_ =	sdelay $0x1  }
0x1cb: {  	v3 =	vadd.f32 v3, v5  }
0x1cc: {  	v10 =	vpop (erf)  }
0x1cd: {  	v3 =	vadd.f32 v3, v10;
	v6 =	vpop (erf);
	_ =	sdelay $0x1  }
0x1ce: {  	v3 =	vadd.f32 v3, v6;
	v7 =	vpop (erf);
	_ =	sdelay $0x1  }
0x1cf: {  	v3 =	vadd.f32 v3, v7;
	v8 =	vpop (erf);
	_ =	sdelay $0x1  }
0x1d0: {  	v3 =	vadd.f32 v3, v8;
	_ =	sdelay $0x1  }
0x1d1: {  	(erf) = vrcp.f32 v3;
	_ =	sdelay $0x8  }
0x1d2: {  	v3 =	vpop (erf)  }
0x1d3: {  	v3 =	vmul.f32 v3, v1  }
.Ltmp2:
0x1d4: {  	(pc) =	sbr.rel @p0 .LBB2_6-.Ltmp2, $4  }
0x1d5: {  	s28 =	sand.u32 $0x400, s21;
	s26 =	sand.u32 $0x70, s22;
	s22 =	smov.u32 s25;
	v11 =	vsub.f32 $0.0e+00, v3;
	v12 =	vmul.f32 v3, v2;
	v13 =	vmul.f32 v3, v5  }
0x1d6: {  	s26 =	sor.u32 s26, s28;
	v6 =	vmul.f32 v3, v6;
	v2 =	vmul.f32 v3, v8  }
0x1d7: {  	v5 =	vmov s22;
	v3 =	vmul.f32 v11, v4;
	[tilespmem:s26+$0x10080] =	vst v12;
	v7 =	vmul.f32 v11, v7  }
0x1d8: {  	v8 =	vshll.u32 v5, $0x7;
	v5 =	vmul.f32 v11, v9;
	v4 =	vmul.f32 v11, v10;
	[tilespmem:s26+$0x10180] =	vst v13  }
0x1d9: {  	v8 =	vor.u32 v0, v8;
	[tilespmem:s26+$0x10280] =	vst v6  }
0x1da: {  	[tilespmem:s26+$0x10300] =	vst v7;
	v6 =	vor.u32 $0x3, v8  }
0x1db: {  	[tilespmem:s26+$0x10000] =	vst v3;
	v7 =	vor.u32 $0x2A, v8  }
0x1dc: {  	v3 =	vor.u32 $0x11, v8;
	[tilespmem:s26+$0x10100] =	vst v5  }
0x1dd: {  	s23 =	sor.u32 $0x380, s23;
	v5 =	vor.u32 $0x63, v8;
	[tilespmem:s26+$0x10200] =	vst v4  }
0x1de: {  	v4 =	vor.u32 $0x4D, v8;
	[tilespmem:s23+$0x10000] =	vst v2  }
0x1df: {  	v2 =	vor.u32 $0x5, v8;
	v6 =	vld.idx.msk [tilespmem:v6+s3+$0x0], $0xffff  }
0x1e0: {  	v9 =	vor.u32 $0x6E, v8;
	v7 =	vld.idx.msk [tilespmem:v7+s3+$0x0], $0xffff  }
0x1e1: {  	v3 =	vld.idx.msk [tilespmem:v3+s3+$0x0], $0xffff  }
0x1e2: {  	v8 =	vor.u32 $0x3F, v8;
	v5 =	vld.idx.msk [tilespmem:v5+s3+$0x0], $0xffff  }
0x1e3: {  	v4 =	vld.idx.msk [tilespmem:v4+s3+$0x0], $0xffff  }
0x1e4: {  	v2 =	vld.idx.msk [tilespmem:v2+s3+$0x0], $0xffff;
	v6 =	vsub.f32 $0.0e+00, v6  }
0x1e5: {  	v9 =	vld.idx.msk [tilespmem:v9+s3+$0x0], $0xffff;
	v7 =	vsub.f32 $0.0e+00, v7  }
0x1e6: {  	v10 =	vmax.f32 v6, v3  }
0x1e7: {  	v8 =	vld.idx.msk [tilespmem:v8+s3+$0x0], $0xffff;
	v5 =	vsub.f32 $0.0e+00, v5;
	v10 =	vmax.f32 v10, v7  }
0x1e8: {  	v10 =	vmax.f32 v10, v4  }
0x1e9: {  	v2 =	vsub.f32 $0.0e+00, v2;
	v10 =	vmax.f32 v10, v5  }
0x1ea: {  	v10 =	vmax.f32 v10, v9  }
0x1eb: {  	v10 =	vmax.f32 v10, v2  }
0x1ec: {  	v10 =	vmax.f32 v10, v8  }
0x1ed: {  	v6 =	vsub.f32 v6, v10  }
0x1ee: {  	v3 =	vsub.f32 v3, v10  }
0x1ef: {  	v6 =	vmul.f32 $1.442695020e+00, v6  }
0x1f0: {  	v7 =	vsub.f32 v7, v10;
	v3 =	vmul.f32 $1.442695020e+00, v3  }
0x1f1: {  	(erf) = vpow2.f32 v6  }
0x1f2: {  	v4 =	vsub.f32 v4, v10;
	v6 =	vmul.f32 $1.442695020e+00, v7;
	(erf) = vpow2.f32 v3  }
0x1f3: {  	v3 =	vsub.f32 v5, v10  }
0x1f4: {  	v4 =	vmul.f32 $1.442695020e+00, v4;
	v5 =	vsub.f32 v9, v10;
	(erf) = vpow2.f32 v6  }
0x1f5: {  	v3 =	vmul.f32 $1.442695020e+00, v3  }
0x1f6: {  	(erf) = vpow2.f32 v4;
	v4 =	vmul.f32 $1.442695020e+00, v5;
	_ =	sdelay $0x1  }
0x1f7: {  	v2 =	vsub.f32 v2, v10;
	(erf) = vpow2.f32 v3  }
0x1f8: {  	v3 =	vsub.f32 v8, v10  }
0x1f9: {  	v2 =	vmul.f32 $1.442695020e+00, v2;
	(erf) = vpow2.f32 v4;
	v4 =	vpop (erf)  }
0x1fa: {  	v3 =	vmul.f32 $1.442695020e+00, v3;
	v5 =	vpop (erf)  }
0x1fb: {  	(erf) = vpow2.f32 v2;
	v2 =	vadd.f32 v5, v4  }
0x1fc: {  	v6 =	vpop (erf)  }
0x1fd: {  	(erf) = vpow2.f32 v3;
	v2 =	vadd.f32 v2, v6  }
0x1fe: {  	v3 =	vpop (erf)  }
0x1ff: {  	v2 =	vadd.f32 v2, v3  }
0x200: {  	v7 =	vpop (erf)  }
0x201: {  	v2 =	vadd.f32 v2, v7  }
0x202: {  	v8 =	vpop (erf)  }
0x203: {  	v2 =	vadd.f32 v2, v8  }
0x204: {  	v9 =	vpop (erf)  }
0x205: {  	v2 =	vadd.f32 v2, v9  }
0x206: {  	v10 =	vpop (erf)  }
0x207: {  	v2 =	vadd.f32 v2, v10;
	_ =	sdelay $0x1  }
0x208: {  	(erf) = vrcp.f32 v2;
	_ =	sdelay $0x8  }
0x209: {  	v2 =	vpop (erf)  }
0x20a: {  	v2 =	vmul.f32 v2, v1  }
0x20b: {  	s21 =	sadd.s32 $0x80, s21  }
0x20c: {  	s29 =	sand.u32 $0x70, s22;
	s24 =	sand.u32 $0x400, s21;
	v5 =	vmul.f32 v2, v5  }
0x20d: {  	s23 =	sor.u32 s29, s24;
	v11 =	vsub.f32 $0.0e+00, v2;
	v3 =	vmul.f32 v2, v3  }
0x20e: {  	v8 =	vmul.f32 v2, v8;
	[tilespmem:s23+$0x10080] =	vst v5  }
0x20f: {  	v5 =	vmul.f32 v11, v9;
	[tilespmem:s23+$0x10180] =	vst v3  }
0x210: {  	v3 =	vmul.f32 v11, v4;
	[tilespmem:s23+$0x10280] =	vst v8  }
0x211: {  	v4 =	vmul.f32 v11, v6;
	[tilespmem:s23+$0x10300] =	vst v5  }
0x212: {  	v5 =	vmul.f32 v11, v7;
	[tilespmem:s23+$0x10000] =	vst v3  }
0x213: {  	s21 =	sor.u32 s21, s22;
	v2 =	vmul.f32 v2, v10;
	[tilespmem:s23+$0x10100] =	vst v4  }
0x214: {  	s22 =	sor.u32 $0x380, s21;
	s21 =	simm.s32 $0x0;
	[tilespmem:s23+$0x10200] =	vst v5  }
0x215: {  	[tilespmem:s22+$0x10000] =	vst v2;
	v2 =	vmov s21  }
0x216: {  	[hbm4b:s10+s21] =	stream.linear.scatter [tilespmem:s17], [sflag:$0x3], $0x800, $0x38;
	v2 =	vshll.u32 v2, $0x7;
	[tilespmem:$0x10880] =	vst v63  }
0x217: {  	_ =	swait.ge [sflag:s18], $0x8000;
	v2 =	vor.u32 v0, v2  }
0x218: {  	[sflag:s18] =	ssyncset.done $0x0;
	v3 =	vor.u32 $0x3, v2  }
0x219: {  	v4 =	vor.u32 $0x2A, v2;
	[sflag:s18] =	ssyncadd.s32 $0xFFFF8000  }
0x21a: {  	v5 =	vor.u32 $0x11, v2;
	_ =	swait.ge [sflag:s19], $0x800  }
0x21b: {  	v6 =	vor.u32 $0x63, v2;
	[sflag:s19] =	ssyncset.done $0x0  }
0x21c: {  	v7 =	vor.u32 $0x4D, v2;
	[sflag:s19] =	ssyncadd.s32 $0xFFFFF800  }
0x21d: {  	v8 =	vor.u32 $0x5, v2;
	v3 =	vld.idx.msk [tilespmem:v3+s15+$0x0], $0xffff  }
0x21e: {  	v9 =	vor.u32 $0x6E, v2;
	v4 =	vld.idx.msk [tilespmem:v4+s15+$0x0], $0xffff  }
0x21f: {  	v5 =	vld.idx.msk [tilespmem:v5+s15+$0x0], $0xffff  }
0x220: {  	v2 =	vor.u32 $0x3F, v2;
	v6 =	vld.idx.msk [tilespmem:v6+s15+$0x0], $0xffff  }
0x221: {  	v7 =	vld.idx.msk [tilespmem:v7+s15+$0x0], $0xffff  }
0x222: {  	v8 =	vld.idx.msk [tilespmem:v8+s15+$0x0], $0xffff;
	v3 =	vsub.f32 $0.0e+00, v3  }
0x223: {  	v9 =	vld.idx.msk [tilespmem:v9+s15+$0x0], $0xffff;
	v4 =	vsub.f32 $0.0e+00, v4  }
0x224: {  	v10 =	vmax.f32 v3, v5  }
0x225: {  	v2 =	vld.idx.msk [tilespmem:v2+s15+$0x0], $0xffff;
	v6 =	vsub.f32 $0.0e+00, v6;
	v10 =	vmax.f32 v10, v4  }
0x226: {  	v10 =	vmax.f32 v10, v7  }
0x227: {  	v8 =	vsub.f32 $0.0e+00, v8;
	v10 =	vmax.f32 v10, v6  }
0x228: {  	v10 =	vmax.f32 v10, v9  }
0x229: {  	v10 =	vmax.f32 v10, v8  }
0x22a: {  	v10 =	vmax.f32 v10, v2  }
0x22b: {  	v3 =	vsub.f32 v3, v10  }
0x22c: {  	v5 =	vsub.f32 v5, v10  }
0x22d: {  	v3 =	vmul.f32 $1.442695020e+00, v3  }
0x22e: {  	v4 =	vsub.f32 v4, v10;
	v5 =	vmul.f32 $1.442695020e+00, v5  }
0x22f: {  	(erf) = vpow2.f32 v3  }
0x230: {  	v4 =	vmul.f32 $1.442695020e+00, v4;
	(erf) = vpow2.f32 v5  }
0x231: {  	v3 =	vsub.f32 v7, v10  }
0x232: {  	(erf) = vpow2.f32 v4;
	v4 =	vsub.f32 v9, v10  }
0x233: {  	v5 =	vsub.f32 v6, v10;
	v3 =	vmul.f32 $1.442695020e+00, v3  }
0x234: {  	v4 =	vmul.f32 $1.442695020e+00, v4  }
0x235: {  	v5 =	vmul.f32 $1.442695020e+00, v5;
	(erf) = vpow2.f32 v3  }
0x236: {  	v3 =	vsub.f32 v8, v10  }
0x237: {  	(erf) = vpow2.f32 v5  }
0x238: {  	v3 =	vmul.f32 $1.442695020e+00, v3;
	(erf) = vpow2.f32 v4;
	v4 =	vpop (erf)  }
0x239: {  	v2 =	vsub.f32 v2, v10;
	v5 =	vpop (erf)  }
0x23a: {  	(erf) = vpow2.f32 v3;
	v3 =	vadd.f32 v5, v4  }
0x23b: {  	v2 =	vmul.f32 $1.442695020e+00, v2  }
0x23c: {  	v9 =	vpop (erf)  }
0x23d: {  	(erf) = vpow2.f32 v2;
	v2 =	vadd.f32 v3, v9  }
0x23e: {  	v3 =	vpop (erf)  }
0x23f: {  	v2 =	vadd.f32 v2, v3  }
0x240: {  	v10 =	vpop (erf)  }
0x241: {  	v2 =	vadd.f32 v2, v10  }
0x242: {  	v6 =	vpop (erf)  }
0x243: {  	v2 =	vadd.f32 v2, v6  }
0x244: {  	v7 =	vpop (erf)  }
0x245: {  	v2 =	vadd.f32 v2, v7  }
0x246: {  	v8 =	vpop (erf)  }
0x247: {  	v2 =	vadd.f32 v2, v8;
	_ =	sdelay $0x1  }
0x248: {  	(erf) = vrcp.f32 v2;
	_ =	sdelay $0x8  }
0x249: {  	v2 =	vpop (erf)  }
0x24a: {  	v2 =	vmul.f32 v2, v1;
	_ =	sdelay $0x1  }
0x24b: {  	s30 =	sand.u32 $0x70, s21;
	s31 =	sand.u32 $0x400, s21;
	v11 =	vsub.f32 $0.0e+00, v2;
	v5 =	vmul.f32 v2, v5;
	v12 =	vmul.f32 v2, v3  }
0x24c: {  	s26 =	sor.u32 s30, s31;
	s22 =	simm.s32 $0x10;
	v6 =	vmul.f32 v2, v6;
	v2 =	vmul.f32 v2, v8  }
0x24d: {  	v8 =	vmov s22;
	v3 =	vmul.f32 v11, v4;
	[tilespmem:s26+$0x10080] =	vst v5;
	v7 =	vmul.f32 v11, v7  }
0x24e: {  	s24 =	simm.s32 $0x20;
	s23 =	sor.u32 s21, s21;
	v8 =	vshll.u32 v8, $0x7;
	v5 =	vmul.f32 v11, v9;
	[tilespmem:s26+$0x10180] =	vst v12;
	v4 =	vmul.f32 v11, v10  }
.LBB2_8:
0x24f: {  	p0 =	sne.s32 s24, $0xF0  }
0x250: {  	v8 =	vor.u32 v0, v8;
	[tilespmem:s26+$0x10280] =	vst v6;
	s21 =	sadd.s32 $0x80, s21;
	s25 =	smov.u32 s24;
	s24 =	sadd.s32 $0x10, s24  }
0x251: {  	v6 =	vor.u32 $0x3, v8;
	v9 =	vor.u32 $0x11, v8;
	v10 =	vor.u32 $0x2A, v8;
	s28 =	sor.u32 s21, s22;
	[tilespmem:s26+$0x10300] =	vst v7  }
0x252: {  	v7 =	vor.u32 $0x4D, v8;
	v11 =	vor.u32 $0x63, v8;
	v12 =	vor.u32 $0x5, v8;
	[tilespmem:s26+$0x10000] =	vst v3  }
0x253: {  	s29 =	sor.u32 $0x380, s23;
	v3 =	vor.u32 $0x6E, v8;
	v8 =	vor.u32 $0x3F, v8;
	s23 =	smov.u32 s28;
	[tilespmem:s26+$0x10100] =	vst v5  }
0x254: {  	[tilespmem:s26+$0x10200] =	vst v4  }
0x255: {  	[tilespmem:s29+$0x10000] =	vst v2  }
0x256: {  	v2 =	vld.idx.msk [tilespmem:v6+s15+$0x0], $0xffff  }
0x257: {  	v4 =	vld.idx.msk [tilespmem:v10+s15+$0x0], $0xffff  }
0x258: {  	v5 =	vld.idx.msk [tilespmem:v9+s15+$0x0], $0xffff  }
0x259: {  	v6 =	vld.idx.msk [tilespmem:v11+s15+$0x0], $0xffff  }
0x25a: {  	v7 =	vld.idx.msk [tilespmem:v7+s15+$0x0], $0xffff  }
0x25b: {  	v9 =	vld.idx.msk [tilespmem:v12+s15+$0x0], $0xffff  }
0x25c: {  	v2 =	vsub.f32 $0.0e+00, v2;
	v3 =	vld.idx.msk [tilespmem:v3+s15+$0x0], $0xffff  }
0x25d: {  	v4 =	vsub.f32 $0.0e+00, v4  }
0x25e: {  	v10 =	vmax.f32 v2, v5;
	v8 =	vld.idx.msk [tilespmem:v8+s15+$0x0], $0xffff  }
0x25f: {  	v6 =	vsub.f32 $0.0e+00, v6;
	v10 =	vmax.f32 v10, v4  }
0x260: {  	v10 =	vmax.f32 v10, v7  }
0x261: {  	v9 =	vsub.f32 $0.0e+00, v9;
	v10 =	vmax.f32 v10, v6  }
0x262: {  	v10 =	vmax.f32 v10, v3  }
0x263: {  	v10 =	vmax.f32 v10, v9  }
0x264: {  	v10 =	vmax.f32 v10, v8  }
0x265: {  	v2 =	vsub.f32 v2, v10;
	v5 =	vsub.f32 v5, v10  }
0x266: {  	v4 =	vsub.f32 v4, v10;
	v7 =	vsub.f32 v7, v10  }
0x267: {  	v6 =	vsub.f32 v6, v10;
	v2 =	vmul.f32 $1.442695020e+00, v2;
	v5 =	vmul.f32 $1.442695020e+00, v5  }
0x268: {  	v3 =	vsub.f32 v3, v10;
	v4 =	vmul.f32 $1.442695020e+00, v4;
	v7 =	vmul.f32 $1.442695020e+00, v7  }
0x269: {  	v9 =	vsub.f32 v9, v10;
	v6 =	vmul.f32 $1.442695020e+00, v6;
	(erf) = vpow2.f32 v2  }
0x26a: {  	v2 =	vmul.f32 $1.442695020e+00, v3;
	v3 =	vsub.f32 v8, v10;
	(erf) = vpow2.f32 v5  }
0x26b: {  	v5 =	vmul.f32 $1.442695020e+00, v9  }
0x26c: {  	v3 =	vmul.f32 $1.442695020e+00, v3;
	(erf) = vpow2.f32 v4  }
0x26d: {  	(erf) = vpow2.f32 v7;
	_ =	sdelay $0x2  }
0x26e: {  	(erf) = vpow2.f32 v6  }
0x26f: {  	(erf) = vpow2.f32 v2  }
0x270: {  	v4 =	vpop (erf)  }
0x271: {  	v2 =	vpop (erf);
	(erf) = vpow2.f32 v5  }
0x272: {  	v6 =	vadd.f32 v2, v4  }
0x273: {  	v9 =	vpop (erf);
	(erf) = vpow2.f32 v3  }
0x274: {  	v3 =	vadd.f32 v6, v9;
	v5 =	vpop (erf);
	_ =	sdelay $0x1  }
0x275: {  	v3 =	vadd.f32 v3, v5  }
0x276: {  	v10 =	vpop (erf)  }
0x277: {  	v3 =	vadd.f32 v3, v10;
	v6 =	vpop (erf);
	_ =	sdelay $0x1  }
0x278: {  	v3 =	vadd.f32 v3, v6;
	v7 =	vpop (erf);
	_ =	sdelay $0x1  }
0x279: {  	v3 =	vadd.f32 v3, v7;
	v8 =	vpop (erf);
	_ =	sdelay $0x1  }
0x27a: {  	v3 =	vadd.f32 v3, v8;
	_ =	sdelay $0x1  }
0x27b: {  	(erf) = vrcp.f32 v3;
	_ =	sdelay $0x8  }
0x27c: {  	v3 =	vpop (erf)  }
0x27d: {  	v3 =	vmul.f32 v3, v1  }
.Ltmp3:
0x27e: {  	(pc) =	sbr.rel @p0 .LBB2_8-.Ltmp3, $4  }
0x27f: {  	s28 =	sand.u32 $0x400, s21;
	s26 =	sand.u32 $0x70, s22;
	s22 =	smov.u32 s25;
	v11 =	vsub.f32 $0.0e+00, v3;
	v12 =	vmul.f32 v3, v2;
	v13 =	vmul.f32 v3, v5  }
0x280: {  	s26 =	sor.u32 s26, s28;
	v6 =	vmul.f32 v3, v6;
	v2 =	vmul.f32 v3, v8  }
0x281: {  	v5 =	vmov s22;
	v3 =	vmul.f32 v11, v4;
	[tilespmem:s26+$0x10080] =	vst v12;
	v7 =	vmul.f32 v11, v7  }
0x282: {  	v8 =	vshll.u32 v5, $0x7;
	v5 =	vmul.f32 v11, v9;
	v4 =	vmul.f32 v11, v10;
	[tilespmem:s26+$0x10180] =	vst v13  }
0x283: {  	v8 =	vor.u32 v0, v8;
	[tilespmem:s26+$0x10280] =	vst v6  }
0x284: {  	[tilespmem:s26+$0x10300] =	vst v7;
	v49 =	vor.u32 $0x3, v8  }
0x285: {  	[tilespmem:s26+$0x10000] =	vst v3;
	v50 =	vor.u32 $0x2A, v8  }
0x286: {  	v3 =	vor.u32 $0x11, v8;
	[tilespmem:s26+$0x10100] =	vst v5  }
0x287: {  	s23 =	sor.u32 $0x380, s23;
	v51 =	vor.u32 $0x63, v8;
	[tilespmem:s26+$0x10200] =	vst v4  }
0x288: {  	v52 =	vor.u32 $0x4D, v8;
	[tilespmem:s23+$0x10000] =	vst v2  }
0x289: {  	v2 =	vor.u32 $0x5, v8;
	v6 =	vld.idx.msk [tilespmem:v49+s15+$0x0], $0xffff  }
0x28a: {  	v9 =	vor.u32 $0x6E, v8;
	v7 =	vld.idx.msk [tilespmem:v50+s15+$0x0], $0xffff  }
0x28b: {  	v3 =	vld.idx.msk [tilespmem:v3+s15+$0x0], $0xffff  }
0x28c: {  	v8 =	vor.u32 $0x3F, v8;
	v5 =	vld.idx.msk [tilespmem:v51+s15+$0x0], $0xffff  }
0x28d: {  	v4 =	vld.idx.msk [tilespmem:v52+s15+$0x0], $0xffff  }
0x28e: {  	v2 =	vld.idx.msk [tilespmem:v2+s15+$0x0], $0xffff;
	v6 =	vsub.f32 $0.0e+00, v6  }
0x28f: {  	v9 =	vld.idx.msk [tilespmem:v9+s15+$0x0], $0xffff;
	v7 =	vsub.f32 $0.0e+00, v7  }
0x290: {  	v10 =	vmax.f32 v6, v3  }
0x291: {  	v8 =	vld.idx.msk [tilespmem:v8+s15+$0x0], $0xffff;
	v5 =	vsub.f32 $0.0e+00, v5;
	v10 =	vmax.f32 v10, v7  }
0x292: {  	v10 =	vmax.f32 v10, v4  }
0x293: {  	v2 =	vsub.f32 $0.0e+00, v2;
	v10 =	vmax.f32 v10, v5  }
0x294: {  	v10 =	vmax.f32 v10, v9  }
0x295: {  	v10 =	vmax.f32 v10, v2  }
0x296: {  	v10 =	vmax.f32 v10, v8  }
0x297: {  	v6 =	vsub.f32 v6, v10  }
0x298: {  	v3 =	vsub.f32 v3, v10  }
0x299: {  	v6 =	vmul.f32 $1.442695020e+00, v6  }
0x29a: {  	v7 =	vsub.f32 v7, v10;
	v3 =	vmul.f32 $1.442695020e+00, v3  }
0x29b: {  	(erf) = vpow2.f32 v6  }
0x29c: {  	v4 =	vsub.f32 v4, v10;
	v53 =	vmul.f32 $1.442695020e+00, v7;
	(erf) = vpow2.f32 v3;
	_ =	sdelay $0x1  }
0x29d: {  	v4 =	vmul.f32 $1.442695020e+00, v4;
	v3 =	vsub.f32 v5, v10;
	(erf) = vpow2.f32 v53;
	_ =	sdelay $0x1  }
0x29e: {  	v54 =	vsub.f32 v9, v10;
	v3 =	vmul.f32 $1.442695020e+00, v3;
	(erf) = vpow2.f32 v4;
	_ =	sdelay $0x1  }
0x29f: {  	v2 =	vsub.f32 v2, v10;
	v55 =	vmul.f32 $1.442695020e+00, v54;
	(erf) = vpow2.f32 v3  }
0x2a0: {  	v3 =	vsub.f32 v8, v10  }
0x2a1: {  	v2 =	vmul.f32 $1.442695020e+00, v2;
	(erf) = vpow2.f32 v55;
	v56 =	vpop (erf)  }
0x2a2: {  	v3 =	vmul.f32 $1.442695020e+00, v3;
	v57 =	vpop (erf)  }
0x2a3: {  	(erf) = vpow2.f32 v2;
	v2 =	vadd.f32 v57, v56  }
0x2a4: {  	v6 =	vpop (erf)  }
0x2a5: {  	(erf) = vpow2.f32 v3;
	v2 =	vadd.f32 v2, v6  }
0x2a6: {  	v3 =	vpop (erf)  }
0x2a7: {  	v2 =	vadd.f32 v2, v3  }
0x2a8: {  	v58 =	vpop (erf)  }
0x2a9: {  	v2 =	vadd.f32 v2, v58  }
0x2aa: {  	v59 =	vpop (erf)  }
0x2ab: {  	v2 =	vadd.f32 v2, v59  }
0x2ac: {  	v60 =	vpop (erf)  }
0x2ad: {  	v2 =	vadd.f32 v2, v60  }
0x2ae: {  	v61 =	vpop (erf)  }
0x2af: {  	v2 =	vadd.f32 v2, v61;
	_ =	sdelay $0x1  }
0x2b0: {  	(erf) = vrcp.f32 v2;
	_ =	sdelay $0x8  }
0x2b1: {  	v2 =	vpop (erf)  }
0x2b2: {  	v1 =	vmul.f32 v2, v1  }
0x2b3: {  	s21 =	sadd.s32 $0x80, s21  }
0x2b4: {  	s31 =	sand.u32 $0x70, s22;
	s24 =	sand.u32 $0x400, s21;
	v2 =	vmul.f32 v1, v57  }
0x2b5: {  	s23 =	sor.u32 s31, s24;
	v62 =	vsub.f32 $0.0e+00, v1;
	v3 =	vmul.f32 v1, v3  }
0x2b6: {  	v8 =	vmul.f32 v1, v59;
	[tilespmem:s23+$0x10080] =	vst v2  }
0x2b7: {  	v2 =	vmul.f32 v62, v60;
	[tilespmem:s23+$0x10180] =	vst v3  }
0x2b8: {  	v3 =	vmul.f32 v62, v56;
	[tilespmem:s23+$0x10280] =	vst v8  }
0x2b9: {  	v63 =	vmul.f32 v62, v6;
	[tilespmem:s23+$0x10300] =	vst v2  }
0x2ba: {  	v2 =	vmul.f32 v62, v58;
	[tilespmem:s23+$0x10000] =	vst v3  }
0x2bb: {  	s20 =	sadd.s32 $0x1, s20;
	s21 =	sor.u32 s21, s22;
	v1 =	vmul.f32 v1, v61;
	[tilespmem:s23+$0x10100] =	vst v63  }
0x2bc: {  	p0 =	sne.s32 s20, s12;
	s21 =	sor.u32 $0x380, s21;
	[tilespmem:s23+$0x10200] =	vst v2  }
.Ltmp4:
0x2bd: {  	[tilespmem:s21+$0x10000] =	vst v1;
	(pc) =	sbr.rel @p0 .LBB2_1-.Ltmp4, $4  }
0x2be: {  	[hbm4b:s11+s3] =	stream.linear.scatter [tilespmem:s17], [sflag:$0x3], $0x800, $0x38;
	[tilespmem:$0x10880] =	vst v63  }
0x2bf: {  	_ =	swait.ge [sflag:s19], $0x800  }
0x2c0: {  	[sflag:s19] =	ssyncset.done $0x0  }
0x2c1: {  	[sflag:s19] =	ssyncadd.s32 $0xFFFFF800  }
0x2c2: {  	_ =	sfence.sel $0x180000  }
0x2c3: {  	[bflag:$0x0] =	sbarrier.arrive $0xFFFF  }
0x2c4: {  	p0 =	sne.s32 s2, $0x0;
	_ =	strace $0x90000047  }
0x2c5: {  	s0 =	sadd.s32 @!p0 $0x100000, s0;
	[bflag:$0x2] =	sbarrier.arrive $0xFFFF  }
0x2c6: {  	[sflag:s0] =	ssyncadd.tile.s32 @!p0 $0x1;
	_ =	shalt  }
.Lfunc_end2:
_tile_overlayer_lowered:
.L_overlay_start_2:
0x2c7: {  	(tag) =	ssettag $0x2  }
0x2c8: {  	s0 =	rddreg [dreg:$0x0];
	s2 =	stileid.u32  }
0x2c9: {  	s1 =	rddreg [dreg:$0x1];
	p0 =	sne.s32 s2, $0x0  }
0x2ca: {  	s3 =	rddreg [dreg:$0x2];
	[bflag:$0x3] =	sbarrier.arrive $0xFFFF;
	s2 =	simm.s32 @!p0 $0x1C04  }
0x2cb: {  	[timem:s3], [sflag:s2] =	dma.local @!p0 [hbm:s0], s1  }
0x2cc: {  	s0 =	simm.s32 @!p0 $0x4  }
0x2cd: {  	_ =	swait.ge @!p0 [sflag:s0], s1  }
0x2ce: {  	s1 =	ssub.s32 @!p0 $0x0, s1;
	[sflag:s0] =	ssyncset.done @!p0 $0x0  }
0x2cf: {  	[sflag:s0] =	ssyncadd.s32 @!p0 s1  }
0x2d0: {  	[bflag:$0x3] =	sbarrier.arrive $0xFFFF  }
0x2d1: {  	_ =	shalt  }

</sc_bundles>
